<compile_context>
chip_gen: v7x
topology: tpu7x:2x2x1
jax: 0.10.2.dev20260603
libtpu: 0.0.44.dev20260713+nightly
codegen_flags: <defaults>
</compile_context>

<pallas_src>
import jax
import jax.numpy as jnp
from jax import lax
from jax.experimental import pallas as pl
from jax.experimental.pallas import tpu as pltpu
from jax.experimental.pallas import tpu_sc as plsc

D = 128
N = 10000
E = 320000
NC = 2
NS = 16
NW = NC * NS
RW = D // NW
NP = RW // 2
CHUNK = 4000
NCHUNKS = E // CHUNK

_MASK_HI = -65536
_HALF = 0x8000
_FMAX = 3.0e38


def _sc_body(m1_hbm, m2_hbm, polar_hbm, ind1_hbm, ind2_hbm, out_hbm,
             tA0, tA1, tB0, tB1, tC0, tC1, idx1_v, idx2_v, out_v,
             sem_in0, sem_in1, sem_out0, sem_out1):
    tA = (tA0, tA1)
    tB = (tB0, tB1)
    tC = (tC0, tC1)
    sem_in = (sem_in0, sem_in1)
    sem_out = (sem_out0, sem_out1)

    wid = lax.axis_index("s") * NC + lax.axis_index("c")
    row0 = wid * RW

    def pack2(a, b):
        return plsc.bitcast(
            plsc.pack(a, b, format=plsc.PackFormat.INTERLEAVED), jnp.float32)

    for g in range(NP):
        r0 = row0 + 2 * g
        pltpu.sync_copy(m1_hbm.at[r0], tA[g])
        pltpu.sync_copy(m1_hbm.at[r0 + 1], tB[g])
        pltpu.sync_copy(polar_hbm.at[r0], tC[g])
        pltpu.sync_copy(polar_hbm.at[r0 + 1], out_v.at[pl.ds(0, N)])
        pltpu.sync_copy(m2_hbm.at[r0], out_v.at[pl.ds(N, N)])
        pltpu.sync_copy(m2_hbm.at[r0 + 1], out_v.at[pl.ds(2 * N, N)])

        @plsc.parallel_loop(0, N, step=16, unroll=4)
        def prol(i, g=g):
            sl = pl.ds(i, 16)
            m1a = tA[g][sl]
            m1b = tB[g][sl]
            pa = tC[g][sl]
            pb = out_v[sl]
            m2a = out_v[pl.ds(N + i, 16)]
            m2b = out_v[pl.ds(2 * N + i, 16)]
            tA[g][sl] = pack2(m1a, m1b)
            tB[g][sl] = pack2(m2a, m2b)
            tC[g][sl] = pack2(m1a / (1.5 * pa), m1b / (1.5 * pb))

    def in_copies(c, p):
        e0 = c * CHUNK
        bsl = pl.ds(p * CHUNK, CHUNK)
        return (
            pltpu.make_async_copy(ind1_hbm.at[pl.ds(e0, CHUNK)],
                                  idx1_v.at[bsl], sem_in[p]),
            pltpu.make_async_copy(ind2_hbm.at[pl.ds(e0, CHUNK)],
                                  idx2_v.at[bsl], sem_in[p]),
        )

    def out_copies(c, p):
        e0 = c * CHUNK
        return tuple(
            pltpu.make_async_copy(
                out_v.at[pl.ds((p * RW + r) * CHUNK, CHUNK)],
                out_hbm.at[row0 + r, pl.ds(e0, CHUNK)],
                sem_out[p])
            for r in range(RW)
        )

    for cp in in_copies(0, 0):
        cp.start()

    def pair_body(c2, _):
        for p in (0, 1):
            c = c2 * 2 + p
            for cp in in_copies(c, p):
                cp.wait()
            @pl.when(c < NCHUNKS - 1)
            def _():
                for cp in in_copies(c + 1, 1 - p):
                    cp.start()
            @pl.when(c2 >= 1)
            def _():
                for cp in out_copies(c - 2, p):
                    cp.wait()

            @plsc.parallel_loop(0, CHUNK, step=16, unroll=2)
            def blk(e, p=p):
                i1 = idx1_v[pl.ds(p * CHUNK + e, 16)]
                i2 = idx2_v[pl.ds(p * CHUNK + e, 16)]
                for g in range(NP):
                    bf = jnp.bfloat16
                    xA1 = plsc.bitcast(plsc.load_gather(tA[g], [i1]), bf)
                    xA2 = plsc.bitcast(plsc.load_gather(tA[g], [i2]), bf)
                    xB1 = plsc.bitcast(plsc.load_gather(tB[g], [i1]), bf)
                    xB2 = plsc.bitcast(plsc.load_gather(tB[g], [i2]), bf)
                    xC1 = plsc.bitcast(plsc.load_gather(tC[g], [i1]), bf)
                    xC2 = plsc.bitcast(plsc.load_gather(tC[g], [i2]), bf)
                    nm = xA1 * xB2 + xA2 * xB1
                    dn = xC1 + xC2
                    n0, n1 = plsc.unpack(nm, format=plsc.PackFormat.INTERLEAVED)
                    d0, d1 = plsc.unpack(dn, format=plsc.PackFormat.INTERLEAVED)
                    r = 2 * g
                    out_v[pl.ds((p * RW + r) * CHUNK + e, 16)] = n0 / d0
                    out_v[pl.ds((p * RW + r + 1) * CHUNK + e, 16)] = n1 / d1

            for cp in out_copies(c, p):
                cp.start()
        return 0

    lax.fori_loop(0, NCHUNKS // 2, pair_body, 0)

    for p in (0, 1):
        for cp in out_copies(NCHUNKS - 2 + p, p):
            cp.wait()


def kernel(m1, m2, polar, indices):
    ind1 = indices[0, :].astype(jnp.int32)
    ind2 = indices[1, :].astype(jnp.int32)
    mesh = plsc.VectorSubcoreMesh(core_axis_name="c", subcore_axis_name="s")
    f = pl.kernel(
        _sc_body,
        out_type=jax.ShapeDtypeStruct((D, E), jnp.float32),
        mesh=mesh,
        compiler_params=pltpu.CompilerParams(needs_layout_passes=False,
                                             use_tc_tiling_on_sc=False),
        scratch_types=(
            [pltpu.VMEM((N,), jnp.float32) for _ in range(3 * NP)]
            + [
                pltpu.VMEM((2 * CHUNK,), jnp.int32),
                pltpu.VMEM((2 * CHUNK,), jnp.int32),
                pltpu.VMEM((2 * RW * CHUNK,), jnp.float32),
                pltpu.SemaphoreType.DMA,
                pltpu.SemaphoreType.DMA,
                pltpu.SemaphoreType.DMA,
                pltpu.SemaphoreType.DMA,
            ]
        ),
    )
    return f(m1, m2, polar, ind1, ind2)

# --- scband reference (transcript-rebuilt; emitter-appended) ---
"""Pipeline reference for scband-c8-combine-layer-10402410791129 (READ-ONLY COPY).

The authoritative reference and input builder live on the scoring server;
editing this copy changes nothing except your own understanding.
"""

import jax, jax.numpy as jnp
import numpy as np


def setup_inputs(seed: int = 0) -> dict:
    key = jax.random.key(seed)
    k1, k2, k3, k4 = jax.random.split(key, 4)
    m1 = jax.random.uniform(k1, (128, 10000), dtype=jnp.float32)
    m2 = jax.random.uniform(k2, (128, 10000), dtype=jnp.float32)
    polar = jax.random.uniform(k3, (128, 10000), dtype=jnp.float32)
    indices = jax.random.randint(k4, (2, 320000), 0, 10000, dtype=jnp.int64)
    return {"m1": m1, "m2": m2, "polar": polar, "indices": indices}


def reference(m1, m2, polar, indices):
    ind1 = indices[0, :]
    ind2 = indices[1, :]
    m1_1 = jnp.take(m1, ind1, axis=1)
    m1_2 = jnp.take(m1, ind2, axis=1)
    m2_1 = jnp.take(m2, ind1, axis=1)
    m2_2 = jnp.take(m2, ind2, axis=1)
    polar1 = jnp.take(polar, ind1, axis=1)
    polar2 = jnp.take(polar, ind2, axis=1)
    return 1.5 * (m1_1 * m2_2 + m1_2 * m2_1) / (m1_1 / polar1 + m1_2 / polar2)

if __name__ == "__main__":
    import jax
    _d = setup_inputs()
    print(jax.jit(kernel)(*tuple(_d.values())))

</pallas_src>

<mosaic_0001>
#map = affine_map<(d0, d1) -> (0, 0)>
#map1 = affine_map<(d0, d1) -> (0)>
module attributes {stable_mosaic.version = 14 : i64} {
  func.func @_sc_body(%arg0: i32, %arg1: i32, %arg2: memref<128x10000xf32, #tpu.memory_space<hbm>>, %arg3: memref<128x10000xf32, #tpu.memory_space<hbm>>, %arg4: memref<128x10000xf32, #tpu.memory_space<hbm>>, %arg5: memref<320000xi32, #tpu.memory_space<hbm>>, %arg6: memref<320000xi32, #tpu.memory_space<hbm>>, %arg7: memref<128x320000xf32, #tpu.memory_space<hbm>>, %arg8: memref<10000xf32, #tpu.memory_space<vmem>>, %arg9: memref<10000xf32, #tpu.memory_space<vmem>>, %arg10: memref<10000xf32, #tpu.memory_space<vmem>>, %arg11: memref<10000xf32, #tpu.memory_space<vmem>>, %arg12: memref<10000xf32, #tpu.memory_space<vmem>>, %arg13: memref<10000xf32, #tpu.memory_space<vmem>>, %arg14: memref<8000xi32, #tpu.memory_space<vmem>>, %arg15: memref<8000xi32, #tpu.memory_space<vmem>>, %arg16: memref<32000xf32, #tpu.memory_space<vmem>>, %arg17: memref<!tpu.dma_semaphore, #tpu.memory_space<semaphore_mem>>, %arg18: memref<!tpu.dma_semaphore, #tpu.memory_space<semaphore_mem>>, %arg19: memref<!tpu.dma_semaphore, #tpu.memory_space<semaphore_mem>>, %arg20: memref<!tpu.dma_semaphore, #tpu.memory_space<semaphore_mem>>) attributes {dimension_semantics = [#tpu.dimension_semantics<core_parallel>, #tpu.dimension_semantics<subcore_parallel>], iteration_bounds = array<i64: 2, 16>, scalar_prefetch = 0 : i64, scratch_operands = 13 : i64, tpu.core_type = #tpu.core_type<sc_vector_subcore>, window_params = [{transform_indices = #map}, {transform_indices = #map}, {transform_indices = #map}, {transform_indices = #map1}, {transform_indices = #map1}, {transform_indices = #map}]} {
    %mul3A = arith.constant 2 : i32
    %mul3A_0 = arith.muli %arg1, %mul3A : i32
    %add3A = arith.addi %mul3A_0, %arg0 : i32
    %mul3A_1 = arith.constant 4 : i32
    %mul3A_2 = arith.muli %add3A, %mul3A_1 : i32
    %add3A_3 = arith.constant 0 : i32
    %add3A_4 = arith.addi %mul3A_2, %add3A_3 : i32
    "tpu.region"() ({
      %run_scoped3A = tpu.sem_alloc : memref<!tpu.dma_semaphore, #tpu.memory_space<semaphore_mem>>
      %dma_start3A_140 = arith.constant 0 : i32
      %dma_start3A_141 = tpu.memref_slice %arg2[%add3A_4, %dma_start3A_140] : memref<128x10000xf32, #tpu.memory_space<hbm>> -> memref<1x10000xf32, #tpu.memory_space<hbm>>
      %dma_start3A_142 = tpu.memref_squeeze %dma_start3A_141 : memref<1x10000xf32, #tpu.memory_space<hbm>> -> memref<10000xf32, #tpu.memory_space<hbm>>
      %dma_start3A_143 = arith.constant 0 : i32
      %dma_start3A_144 = tpu.memref_slice %arg2[%add3A_4, %dma_start3A_143] : memref<128x10000xf32, #tpu.memory_space<hbm>> -> memref<1x10000xf32, #tpu.memory_space<hbm>>
      %dma_start3A_145 = tpu.memref_squeeze %dma_start3A_144 : memref<1x10000xf32, #tpu.memory_space<hbm>> -> memref<10000xf32, #tpu.memory_space<hbm>>
      tpu.enqueue_dma source(%dma_start3A_145 : memref<10000xf32, #tpu.memory_space<hbm>>) target(%arg8 : memref<10000xf32, #tpu.memory_space<vmem>>) target_semaphore(%run_scoped3A : memref<!tpu.dma_semaphore, #tpu.memory_space<semaphore_mem>>)
      %dma_wait3A_146 = arith.constant 0 : i32
      %dma_wait3A_147 = tpu.memref_slice %arg2[%add3A_4, %dma_wait3A_146] : memref<128x10000xf32, #tpu.memory_space<hbm>> -> memref<1x10000xf32, #tpu.memory_space<hbm>>
      %dma_wait3A_148 = tpu.memref_squeeze %dma_wait3A_147 : memref<1x10000xf32, #tpu.memory_space<hbm>> -> memref<10000xf32, #tpu.memory_space<hbm>>
      %dma_wait3A_149 = arith.constant 0 : i32
      %dma_wait3A_150 = tpu.memref_slice %arg2[%add3A_4, %dma_wait3A_149] : memref<128x10000xf32, #tpu.memory_space<hbm>> -> memref<1x10000xf32, #tpu.memory_space<hbm>>
      %dma_wait3A_151 = tpu.memref_squeeze %dma_wait3A_150 : memref<1x10000xf32, #tpu.memory_space<hbm>> -> memref<10000xf32, #tpu.memory_space<hbm>>
      tpu.wait_dma2 semaphore(%run_scoped3A : memref<!tpu.dma_semaphore, #tpu.memory_space<semaphore_mem>>) src(%dma_wait3A_151 : memref<10000xf32, #tpu.memory_space<hbm>>) dst(%arg8 : memref<10000xf32, #tpu.memory_space<vmem>>)
      tpu.yield
    }) : () -> ()
    %add3A_5 = arith.constant 1 : i32
    %add3A_6 = arith.addi %add3A_4, %add3A_5 : i32
    "tpu.region"() ({
      %run_scoped3A = tpu.sem_alloc : memref<!tpu.dma_semaphore, #tpu.memory_space<semaphore_mem>>
      %dma_start3A_140 = arith.constant 0 : i32
      %dma_start3A_141 = tpu.memref_slice %arg2[%add3A_6, %dma_start3A_140] : memref<128x10000xf32, #tpu.memory_space<hbm>> -> memref<1x10000xf32, #tpu.memory_space<hbm>>
      %dma_start3A_142 = tpu.memref_squeeze %dma_start3A_141 : memref<1x10000xf32, #tpu.memory_space<hbm>> -> memref<10000xf32, #tpu.memory_space<hbm>>
      %dma_start3A_143 = arith.constant 0 : i32
      %dma_start3A_144 = tpu.memref_slice %arg2[%add3A_6, %dma_start3A_143] : memref<128x10000xf32, #tpu.memory_space<hbm>> -> memref<1x10000xf32, #tpu.memory_space<hbm>>
      %dma_start3A_145 = tpu.memref_squeeze %dma_start3A_144 : memref<1x10000xf32, #tpu.memory_space<hbm>> -> memref<10000xf32, #tpu.memory_space<hbm>>
      tpu.enqueue_dma source(%dma_start3A_145 : memref<10000xf32, #tpu.memory_space<hbm>>) target(%arg10 : memref<10000xf32, #tpu.memory_space<vmem>>) target_semaphore(%run_scoped3A : memref<!tpu.dma_semaphore, #tpu.memory_space<semaphore_mem>>)
      %dma_wait3A_146 = arith.constant 0 : i32
      %dma_wait3A_147 = tpu.memref_slice %arg2[%add3A_6, %dma_wait3A_146] : memref<128x10000xf32, #tpu.memory_space<hbm>> -> memref<1x10000xf32, #tpu.memory_space<hbm>>
      %dma_wait3A_148 = tpu.memref_squeeze %dma_wait3A_147 : memref<1x10000xf32, #tpu.memory_space<hbm>> -> memref<10000xf32, #tpu.memory_space<hbm>>
      %dma_wait3A_149 = arith.constant 0 : i32
      %dma_wait3A_150 = tpu.memref_slice %arg2[%add3A_6, %dma_wait3A_149] : memref<128x10000xf32, #tpu.memory_space<hbm>> -> memref<1x10000xf32, #tpu.memory_space<hbm>>
      %dma_wait3A_151 = tpu.memref_squeeze %dma_wait3A_150 : memref<1x10000xf32, #tpu.memory_space<hbm>> -> memref<10000xf32, #tpu.memory_space<hbm>>
      tpu.wait_dma2 semaphore(%run_scoped3A : memref<!tpu.dma_semaphore, #tpu.memory_space<semaphore_mem>>) src(%dma_wait3A_151 : memref<10000xf32, #tpu.memory_space<hbm>>) dst(%arg10 : memref<10000xf32, #tpu.memory_space<vmem>>)
      tpu.yield
    }) : () -> ()
    "tpu.region"() ({
      %run_scoped3A = tpu.sem_alloc : memref<!tpu.dma_semaphore, #tpu.memory_space<semaphore_mem>>
      %dma_start3A_140 = arith.constant 0 : i32
      %dma_start3A_141 = tpu.memref_slice %arg4[%add3A_4, %dma_start3A_140] : memref<128x10000xf32, #tpu.memory_space<hbm>> -> memref<1x10000xf32, #tpu.memory_space<hbm>>
      %dma_start3A_142 = tpu.memref_squeeze %dma_start3A_141 : memref<1x10000xf32, #tpu.memory_space<hbm>> -> memref<10000xf32, #tpu.memory_space<hbm>>
      %dma_start3A_143 = arith.constant 0 : i32
      %dma_start3A_144 = tpu.memref_slice %arg4[%add3A_4, %dma_start3A_143] : memref<128x10000xf32, #tpu.memory_space<hbm>> -> memref<1x10000xf32, #tpu.memory_space<hbm>>
      %dma_start3A_145 = tpu.memref_squeeze %dma_start3A_144 : memref<1x10000xf32, #tpu.memory_space<hbm>> -> memref<10000xf32, #tpu.memory_space<hbm>>
      tpu.enqueue_dma source(%dma_start3A_145 : memref<10000xf32, #tpu.memory_space<hbm>>) target(%arg12 : memref<10000xf32, #tpu.memory_space<vmem>>) target_semaphore(%run_scoped3A : memref<!tpu.dma_semaphore, #tpu.memory_space<semaphore_mem>>)
      %dma_wait3A_146 = arith.constant 0 : i32
      %dma_wait3A_147 = tpu.memref_slice %arg4[%add3A_4, %dma_wait3A_146] : memref<128x10000xf32, #tpu.memory_space<hbm>> -> memref<1x10000xf32, #tpu.memory_space<hbm>>
      %dma_wait3A_148 = tpu.memref_squeeze %dma_wait3A_147 : memref<1x10000xf32, #tpu.memory_space<hbm>> -> memref<10000xf32, #tpu.memory_space<hbm>>
      %dma_wait3A_149 = arith.constant 0 : i32
      %dma_wait3A_150 = tpu.memref_slice %arg4[%add3A_4, %dma_wait3A_149] : memref<128x10000xf32, #tpu.memory_space<hbm>> -> memref<1x10000xf32, #tpu.memory_space<hbm>>
      %dma_wait3A_151 = tpu.memref_squeeze %dma_wait3A_150 : memref<1x10000xf32, #tpu.memory_space<hbm>> -> memref<10000xf32, #tpu.memory_space<hbm>>
      tpu.wait_dma2 semaphore(%run_scoped3A : memref<!tpu.dma_semaphore, #tpu.memory_space<semaphore_mem>>) src(%dma_wait3A_151 : memref<10000xf32, #tpu.memory_space<hbm>>) dst(%arg12 : memref<10000xf32, #tpu.memory_space<vmem>>)
      tpu.yield
    }) : () -> ()
    %add3A_7 = arith.constant 1 : i32
    %add3A_8 = arith.addi %add3A_4, %add3A_7 : i32
    "tpu.region"() ({
      %run_scoped3A = tpu.sem_alloc : memref<!tpu.dma_semaphore, #tpu.memory_space<semaphore_mem>>
      %dma_start3A_140 = arith.constant 0 : i32
      %dma_start3A_141 = tpu.memref_slice %arg16[%dma_start3A_140] : memref<32000xf32, #tpu.memory_space<vmem>> -> memref<10000xf32, #tpu.memory_space<vmem>>
      %dma_start3A_142 = arith.constant 0 : i32
      %dma_start3A_143 = tpu.memref_slice %arg4[%add3A_8, %dma_start3A_142] : memref<128x10000xf32, #tpu.memory_space<hbm>> -> memref<1x10000xf32, #tpu.memory_space<hbm>>
      %dma_start3A_144 = tpu.memref_squeeze %dma_start3A_143 : memref<1x10000xf32, #tpu.memory_space<hbm>> -> memref<10000xf32, #tpu.memory_space<hbm>>
      %dma_start3A_145 = arith.constant 0 : i32
      %dma_start3A_146 = tpu.memref_slice %arg16[%dma_start3A_145] : memref<32000xf32, #tpu.memory_space<vmem>> -> memref<10000xf32, #tpu.memory_space<vmem>>
      %dma_start3A_147 = arith.constant 0 : i32
      %dma_start3A_148 = tpu.memref_slice %arg4[%add3A_8, %dma_start3A_147] : memref<128x10000xf32, #tpu.memory_space<hbm>> -> memref<1x10000xf32, #tpu.memory_space<hbm>>
      %dma_start3A_149 = tpu.memref_squeeze %dma_start3A_148 : memref<1x10000xf32, #tpu.memory_space<hbm>> -> memref<10000xf32, #tpu.memory_space<hbm>>
      tpu.enqueue_dma source(%dma_start3A_149 : memref<10000xf32, #tpu.memory_space<hbm>>) target(%dma_start3A_146 : memref<10000xf32, #tpu.memory_space<vmem>>) target_semaphore(%run_scoped3A : memref<!tpu.dma_semaphore, #tpu.memory_space<semaphore_mem>>)
      %dma_wait3A_150 = arith.constant 0 : i32
      %dma_wait3A_151 = tpu.memref_slice %arg16[%dma_wait3A_150] : memref<32000xf32, #tpu.memory_space<vmem>> -> memref<10000xf32, #tpu.memory_space<vmem>>
      %dma_wait3A_152 = arith.constant 0 : i32
      %dma_wait3A_153 = tpu.memref_slice %arg4[%add3A_8, %dma_wait3A_152] : memref<128x10000xf32, #tpu.memory_space<hbm>> -> memref<1x10000xf32, #tpu.memory_space<hbm>>
      %dma_wait3A_154 = tpu.memref_squeeze %dma_wait3A_153 : memref<1x10000xf32, #tpu.memory_space<hbm>> -> memref<10000xf32, #tpu.memory_space<hbm>>
      %dma_wait3A_155 = arith.constant 0 : i32
      %dma_wait3A_156 = tpu.memref_slice %arg16[%dma_wait3A_155] : memref<32000xf32, #tpu.memory_space<vmem>> -> memref<10000xf32, #tpu.memory_space<vmem>>
      %dma_wait3A_157 = arith.constant 0 : i32
      %dma_wait3A_158 = tpu.memref_slice %arg4[%add3A_8, %dma_wait3A_157] : memref<128x10000xf32, #tpu.memory_space<hbm>> -> memref<1x10000xf32, #tpu.memory_space<hbm>>
      %dma_wait3A_159 = tpu.memref_squeeze %dma_wait3A_158 : memref<1x10000xf32, #tpu.memory_space<hbm>> -> memref<10000xf32, #tpu.memory_space<hbm>>
      tpu.wait_dma2 semaphore(%run_scoped3A : memref<!tpu.dma_semaphore, #tpu.memory_space<semaphore_mem>>) src(%dma_wait3A_159 : memref<10000xf32, #tpu.memory_space<hbm>>) dst(%dma_wait3A_156 : memref<10000xf32, #tpu.memory_space<vmem>>)
      tpu.yield
    }) : () -> ()
    "tpu.region"() ({
      %run_scoped3A = tpu.sem_alloc : memref<!tpu.dma_semaphore, #tpu.memory_space<semaphore_mem>>
      %dma_start3A_140 = arith.constant 10000 : i32
      %dma_start3A_141 = tpu.memref_slice %arg16[%dma_start3A_140] : memref<32000xf32, #tpu.memory_space<vmem>> -> memref<10000xf32, #tpu.memory_space<vmem>>
      %dma_start3A_142 = arith.constant 0 : i32
      %dma_start3A_143 = tpu.memref_slice %arg3[%add3A_4, %dma_start3A_142] : memref<128x10000xf32, #tpu.memory_space<hbm>> -> memref<1x10000xf32, #tpu.memory_space<hbm>>
      %dma_start3A_144 = tpu.memref_squeeze %dma_start3A_143 : memref<1x10000xf32, #tpu.memory_space<hbm>> -> memref<10000xf32, #tpu.memory_space<hbm>>
      %dma_start3A_145 = arith.constant 10000 : i32
      %dma_start3A_146 = tpu.memref_slice %arg16[%dma_start3A_145] : memref<32000xf32, #tpu.memory_space<vmem>> -> memref<10000xf32, #tpu.memory_space<vmem>>
      %dma_start3A_147 = arith.constant 0 : i32
      %dma_start3A_148 = tpu.memref_slice %arg3[%add3A_4, %dma_start3A_147] : memref<128x10000xf32, #tpu.memory_space<hbm>> -> memref<1x10000xf32, #tpu.memory_space<hbm>>
      %dma_start3A_149 = tpu.memref_squeeze %dma_start3A_148 : memref<1x10000xf32, #tpu.memory_space<hbm>> -> memref<10000xf32, #tpu.memory_space<hbm>>
      tpu.enqueue_dma source(%dma_start3A_149 : memref<10000xf32, #tpu.memory_space<hbm>>) target(%dma_start3A_146 : memref<10000xf32, #tpu.memory_space<vmem>>) target_semaphore(%run_scoped3A : memref<!tpu.dma_semaphore, #tpu.memory_space<semaphore_mem>>)
      %dma_wait3A_150 = arith.constant 10000 : i32
      %dma_wait3A_151 = tpu.memref_slice %arg16[%dma_wait3A_150] : memref<32000xf32, #tpu.memory_space<vmem>> -> memref<10000xf32, #tpu.memory_space<vmem>>
      %dma_wait3A_152 = arith.constant 0 : i32
      %dma_wait3A_153 = tpu.memref_slice %arg3[%add3A_4, %dma_wait3A_152] : memref<128x10000xf32, #tpu.memory_space<hbm>> -> memref<1x10000xf32, #tpu.memory_space<hbm>>
      %dma_wait3A_154 = tpu.memref_squeeze %dma_wait3A_153 : memref<1x10000xf32, #tpu.memory_space<hbm>> -> memref<10000xf32, #tpu.memory_space<hbm>>
      %dma_wait3A_155 = arith.constant 10000 : i32
      %dma_wait3A_156 = tpu.memref_slice %arg16[%dma_wait3A_155] : memref<32000xf32, #tpu.memory_space<vmem>> -> memref<10000xf32, #tpu.memory_space<vmem>>
      %dma_wait3A_157 = arith.constant 0 : i32
      %dma_wait3A_158 = tpu.memref_slice %arg3[%add3A_4, %dma_wait3A_157] : memref<128x10000xf32, #tpu.memory_space<hbm>> -> memref<1x10000xf32, #tpu.memory_space<hbm>>
      %dma_wait3A_159 = tpu.memref_squeeze %dma_wait3A_158 : memref<1x10000xf32, #tpu.memory_space<hbm>> -> memref<10000xf32, #tpu.memory_space<hbm>>
      tpu.wait_dma2 semaphore(%run_scoped3A : memref<!tpu.dma_semaphore, #tpu.memory_space<semaphore_mem>>) src(%dma_wait3A_159 : memref<10000xf32, #tpu.memory_space<hbm>>) dst(%dma_wait3A_156 : memref<10000xf32, #tpu.memory_space<vmem>>)
      tpu.yield
    }) : () -> ()
    %add3A_9 = arith.constant 1 : i32
    %add3A_10 = arith.addi %add3A_4, %add3A_9 : i32
    "tpu.region"() ({
      %run_scoped3A = tpu.sem_alloc : memref<!tpu.dma_semaphore, #tpu.memory_space<semaphore_mem>>
      %dma_start3A_140 = arith.constant 20000 : i32
      %dma_start3A_141 = tpu.memref_slice %arg16[%dma_start3A_140] : memref<32000xf32, #tpu.memory_space<vmem>> -> memref<10000xf32, #tpu.memory_space<vmem>>
      %dma_start3A_142 = arith.constant 0 : i32
      %dma_start3A_143 = tpu.memref_slice %arg3[%add3A_10, %dma_start3A_142] : memref<128x10000xf32, #tpu.memory_space<hbm>> -> memref<1x10000xf32, #tpu.memory_space<hbm>>
      %dma_start3A_144 = tpu.memref_squeeze %dma_start3A_143 : memref<1x10000xf32, #tpu.memory_space<hbm>> -> memref<10000xf32, #tpu.memory_space<hbm>>
      %dma_start3A_145 = arith.constant 20000 : i32
      %dma_start3A_146 = tpu.memref_slice %arg16[%dma_start3A_145] : memref<32000xf32, #tpu.memory_space<vmem>> -> memref<10000xf32, #tpu.memory_space<vmem>>
      %dma_start3A_147 = arith.constant 0 : i32
      %dma_start3A_148 = tpu.memref_slice %arg3[%add3A_10, %dma_start3A_147] : memref<128x10000xf32, #tpu.memory_space<hbm>> -> memref<1x10000xf32, #tpu.memory_space<hbm>>
      %dma_start3A_149 = tpu.memref_squeeze %dma_start3A_148 : memref<1x10000xf32, #tpu.memory_space<hbm>> -> memref<10000xf32, #tpu.memory_space<hbm>>
      tpu.enqueue_dma source(%dma_start3A_149 : memref<10000xf32, #tpu.memory_space<hbm>>) target(%dma_start3A_146 : memref<10000xf32, #tpu.memory_space<vmem>>) target_semaphore(%run_scoped3A : memref<!tpu.dma_semaphore, #tpu.memory_space<semaphore_mem>>)
      %dma_wait3A_150 = arith.constant 20000 : i32
      %dma_wait3A_151 = tpu.memref_slice %arg16[%dma_wait3A_150] : memref<32000xf32, #tpu.memory_space<vmem>> -> memref<10000xf32, #tpu.memory_space<vmem>>
      %dma_wait3A_152 = arith.constant 0 : i32
      %dma_wait3A_153 = tpu.memref_slice %arg3[%add3A_10, %dma_wait3A_152] : memref<128x10000xf32, #tpu.memory_space<hbm>> -> memref<1x10000xf32, #tpu.memory_space<hbm>>
      %dma_wait3A_154 = tpu.memref_squeeze %dma_wait3A_153 : memref<1x10000xf32, #tpu.memory_space<hbm>> -> memref<10000xf32, #tpu.memory_space<hbm>>
      %dma_wait3A_155 = arith.constant 20000 : i32
      %dma_wait3A_156 = tpu.memref_slice %arg16[%dma_wait3A_155] : memref<32000xf32, #tpu.memory_space<vmem>> -> memref<10000xf32, #tpu.memory_space<vmem>>
      %dma_wait3A_157 = arith.constant 0 : i32
      %dma_wait3A_158 = tpu.memref_slice %arg3[%add3A_10, %dma_wait3A_157] : memref<128x10000xf32, #tpu.memory_space<hbm>> -> memref<1x10000xf32, #tpu.memory_space<hbm>>
      %dma_wait3A_159 = tpu.memref_squeeze %dma_wait3A_158 : memref<1x10000xf32, #tpu.memory_space<hbm>> -> memref<10000xf32, #tpu.memory_space<hbm>>
      tpu.wait_dma2 semaphore(%run_scoped3A : memref<!tpu.dma_semaphore, #tpu.memory_space<semaphore_mem>>) src(%dma_wait3A_159 : memref<10000xf32, #tpu.memory_space<hbm>>) dst(%dma_wait3A_156 : memref<10000xf32, #tpu.memory_space<vmem>>)
      tpu.yield
    }) : () -> ()
    %parallel_loop3A = arith.constant 0 : i32
    %parallel_loop3A_11 = arith.constant 10000 : i32
    %parallel_loop3A_12 = arith.constant 16 : i32
    scf.for %parallel_loop3A_140 = %parallel_loop3A to %parallel_loop3A_11 step %parallel_loop3A_12  : i32 {
      %parallel_loop3A_141 = arith.index_cast %parallel_loop3A_140 : i32 to index
      %parallel_loop3A_142 = tpu.vector_load %arg8[%parallel_loop3A_141] {strides = array<i32>} : memref<10000xf32, #tpu.memory_space<vmem>>, vector<16xf32>,
      %parallel_loop3A_143 = arith.index_cast %parallel_loop3A_140 : i32 to index
      %parallel_loop3A_144 = tpu.vector_load %arg10[%parallel_loop3A_143] {strides = array<i32>} : memref<10000xf32, #tpu.memory_space<vmem>>, vector<16xf32>,
      %parallel_loop3A_145 = arith.index_cast %parallel_loop3A_140 : i32 to index
      %parallel_loop3A_146 = tpu.vector_load %arg12[%parallel_loop3A_145] {strides = array<i32>} : memref<10000xf32, #tpu.memory_space<vmem>>, vector<16xf32>,
      %parallel_loop3A_147 = arith.index_cast %parallel_loop3A_140 : i32 to index
      %parallel_loop3A_148 = tpu.vector_load %arg16[%parallel_loop3A_147] {strides = array<i32>} : memref<32000xf32, #tpu.memory_space<vmem>>, vector<16xf32>,
      %parallel_loop3A_149 = arith.constant 10000 : i32
      %parallel_loop3A_150 = arith.addi %parallel_loop3A_149, %parallel_loop3A_140 : i32
      %parallel_loop3A_151 = arith.index_cast %parallel_loop3A_150 : i32 to index
      %parallel_loop3A_152 = tpu.vector_load %arg16[%parallel_loop3A_151] {strides = array<i32>} : memref<32000xf32, #tpu.memory_space<vmem>>, vector<16xf32>,
      %parallel_loop3A_153 = arith.constant 20000 : i32
      %parallel_loop3A_154 = arith.addi %parallel_loop3A_153, %parallel_loop3A_140 : i32
      %parallel_loop3A_155 = arith.index_cast %parallel_loop3A_154 : i32 to index
      %parallel_loop3A_156 = tpu.vector_load %arg16[%parallel_loop3A_155] {strides = array<i32>} : memref<32000xf32, #tpu.memory_space<vmem>>, vector<16xf32>,
      %parallel_loop3A_157 = tpu.pack_subelements %parallel_loop3A_142, %parallel_loop3A_144 {pack_format = #tpu.pack_format<interleaved>, positions = array<i32: 0, 1>} : vector<16xf32>, vector<16xf32> -> vector<32xbf16>
      %parallel_loop3A_158 = vector.bitcast %parallel_loop3A_157 : vector<32xbf16> to vector<16xf32>
      %parallel_loop3A_159 = arith.index_cast %parallel_loop3A_140 : i32 to index
      %parallel_loop3A_160 = tpu.vector_load %arg8[%parallel_loop3A_159] {strides = array<i32>} : memref<10000xf32, #tpu.memory_space<vmem>>, vector<16xf32>,
      tpu.vector_store %arg8[%parallel_loop3A_159], %parallel_loop3A_158 {strides = array<i32>} : memref<10000xf32, #tpu.memory_space<vmem>>, vector<16xf32>,
      %parallel_loop3A_161 = tpu.pack_subelements %parallel_loop3A_152, %parallel_loop3A_156 {pack_format = #tpu.pack_format<interleaved>, positions = array<i32: 0, 1>} : vector<16xf32>, vector<16xf32> -> vector<32xbf16>
      %parallel_loop3A_162 = vector.bitcast %parallel_loop3A_161 : vector<32xbf16> to vector<16xf32>
      %parallel_loop3A_163 = arith.index_cast %parallel_loop3A_140 : i32 to index
      %parallel_loop3A_164 = tpu.vector_load %arg10[%parallel_loop3A_163] {strides = array<i32>} : memref<10000xf32, #tpu.memory_space<vmem>>, vector<16xf32>,
      tpu.vector_store %arg10[%parallel_loop3A_163], %parallel_loop3A_162 {strides = array<i32>} : memref<10000xf32, #tpu.memory_space<vmem>>, vector<16xf32>,
      %parallel_loop3A_165 = arith.constant 1.500000e+00 : f32
      %parallel_loop3A_166 = vector.broadcast %parallel_loop3A_165 : f32 to vector<16xf32>
      %parallel_loop3A_167 = arith.mulf %parallel_loop3A_166, %parallel_loop3A_146 : vector<16xf32>
      %parallel_loop3A_168 = arith.divf %parallel_loop3A_142, %parallel_loop3A_167 : vector<16xf32>
      %parallel_loop3A_169 = arith.constant 1.500000e+00 : f32
      %parallel_loop3A_170 = vector.broadcast %parallel_loop3A_169 : f32 to vector<16xf32>
      %parallel_loop3A_171 = arith.mulf %parallel_loop3A_170, %parallel_loop3A_148 : vector<16xf32>
      %parallel_loop3A_172 = arith.divf %parallel_loop3A_144, %parallel_loop3A_171 : vector<16xf32>
      %parallel_loop3A_173 = tpu.pack_subelements %parallel_loop3A_168, %parallel_loop3A_172 {pack_format = #tpu.pack_format<interleaved>, positions = array<i32: 0, 1>} : vector<16xf32>, vector<16xf32> -> vector<32xbf16>
      %parallel_loop3A_174 = vector.bitcast %parallel_loop3A_173 : vector<32xbf16> to vector<16xf32>
      %parallel_loop3A_175 = arith.index_cast %parallel_loop3A_140 : i32 to index
      %parallel_loop3A_176 = tpu.vector_load %arg12[%parallel_loop3A_175] {strides = array<i32>} : memref<10000xf32, #tpu.memory_space<vmem>>, vector<16xf32>,
      tpu.vector_store %arg12[%parallel_loop3A_175], %parallel_loop3A_174 {strides = array<i32>} : memref<10000xf32, #tpu.memory_space<vmem>>, vector<16xf32>,
    } {sc.loop_unroll_factor = 4 : i64, sc.parallel_access}
    %add3A_13 = arith.constant 2 : i32
    %add3A_14 = arith.addi %mul3A_2, %add3A_13 : i32
    "tpu.region"() ({
      %run_scoped3A = tpu.sem_alloc : memref<!tpu.dma_semaphore, #tpu.memory_space<semaphore_mem>>
      %dma_start3A_140 = arith.constant 0 : i32
      %dma_start3A_141 = tpu.memref_slice %arg2[%add3A_14, %dma_start3A_140] : memref<128x10000xf32, #tpu.memory_space<hbm>> -> memref<1x10000xf32, #tpu.memory_space<hbm>>
      %dma_start3A_142 = tpu.memref_squeeze %dma_start3A_141 : memref<1x10000xf32, #tpu.memory_space<hbm>> -> memref<10000xf32, #tpu.memory_space<hbm>>
      %dma_start3A_143 = arith.constant 0 : i32
      %dma_start3A_144 = tpu.memref_slice %arg2[%add3A_14, %dma_start3A_143] : memref<128x10000xf32, #tpu.memory_space<hbm>> -> memref<1x10000xf32, #tpu.memory_space<hbm>>
      %dma_start3A_145 = tpu.memref_squeeze %dma_start3A_144 : memref<1x10000xf32, #tpu.memory_space<hbm>> -> memref<10000xf32, #tpu.memory_space<hbm>>
      tpu.enqueue_dma source(%dma_start3A_145 : memref<10000xf32, #tpu.memory_space<hbm>>) target(%arg9 : memref<10000xf32, #tpu.memory_space<vmem>>) target_semaphore(%run_scoped3A : memref<!tpu.dma_semaphore, #tpu.memory_space<semaphore_mem>>)
      %dma_wait3A_146 = arith.constant 0 : i32
      %dma_wait3A_147 = tpu.memref_slice %arg2[%add3A_14, %dma_wait3A_146] : memref<128x10000xf32, #tpu.memory_space<hbm>> -> memref<1x10000xf32, #tpu.memory_space<hbm>>
      %dma_wait3A_148 = tpu.memref_squeeze %dma_wait3A_147 : memref<1x10000xf32, #tpu.memory_space<hbm>> -> memref<10000xf32, #tpu.memory_space<hbm>>
      %dma_wait3A_149 = arith.constant 0 : i32
      %dma_wait3A_150 = tpu.memref_slice %arg2[%add3A_14, %dma_wait3A_149] : memref<128x10000xf32, #tpu.memory_space<hbm>> -> memref<1x10000xf32, #tpu.memory_space<hbm>>
      %dma_wait3A_151 = tpu.memref_squeeze %dma_wait3A_150 : memref<1x10000xf32, #tpu.memory_space<hbm>> -> memref<10000xf32, #tpu.memory_space<hbm>>
      tpu.wait_dma2 semaphore(%run_scoped3A : memref<!tpu.dma_semaphore, #tpu.memory_space<semaphore_mem>>) src(%dma_wait3A_151 : memref<10000xf32, #tpu.memory_space<hbm>>) dst(%arg9 : memref<10000xf32, #tpu.memory_space<vmem>>)
      tpu.yield
    }) : () -> ()
    %add3A_15 = arith.constant 1 : i32
    %add3A_16 = arith.addi %add3A_14, %add3A_15 : i32
    "tpu.region"() ({
      %run_scoped3A = tpu.sem_alloc : memref<!tpu.dma_semaphore, #tpu.memory_space<semaphore_mem>>
      %dma_start3A_140 = arith.constant 0 : i32
      %dma_start3A_141 = tpu.memref_slice %arg2[%add3A_16, %dma_start3A_140] : memref<128x10000xf32, #tpu.memory_space<hbm>> -> memref<1x10000xf32, #tpu.memory_space<hbm>>
      %dma_start3A_142 = tpu.memref_squeeze %dma_start3A_141 : memref<1x10000xf32, #tpu.memory_space<hbm>> -> memref<10000xf32, #tpu.memory_space<hbm>>
      %dma_start3A_143 = arith.constant 0 : i32
      %dma_start3A_144 = tpu.memref_slice %arg2[%add3A_16, %dma_start3A_143] : memref<128x10000xf32, #tpu.memory_space<hbm>> -> memref<1x10000xf32, #tpu.memory_space<hbm>>
      %dma_start3A_145 = tpu.memref_squeeze %dma_start3A_144 : memref<1x10000xf32, #tpu.memory_space<hbm>> -> memref<10000xf32, #tpu.memory_space<hbm>>
      tpu.enqueue_dma source(%dma_start3A_145 : memref<10000xf32, #tpu.memory_space<hbm>>) target(%arg11 : memref<10000xf32, #tpu.memory_space<vmem>>) target_semaphore(%run_scoped3A : memref<!tpu.dma_semaphore, #tpu.memory_space<semaphore_mem>>)
      %dma_wait3A_146 = arith.constant 0 : i32
      %dma_wait3A_147 = tpu.memref_slice %arg2[%add3A_16, %dma_wait3A_146] : memref<128x10000xf32, #tpu.memory_space<hbm>> -> memref<1x10000xf32, #tpu.memory_space<hbm>>
      %dma_wait3A_148 = tpu.memref_squeeze %dma_wait3A_147 : memref<1x10000xf32, #tpu.memory_space<hbm>> -> memref<10000xf32, #tpu.memory_space<hbm>>
      %dma_wait3A_149 = arith.constant 0 : i32
      %dma_wait3A_150 = tpu.memref_slice %arg2[%add3A_16, %dma_wait3A_149] : memref<128x10000xf32, #tpu.memory_space<hbm>> -> memref<1x10000xf32, #tpu.memory_space<hbm>>
      %dma_wait3A_151 = tpu.memref_squeeze %dma_wait3A_150 : memref<1x10000xf32, #tpu.memory_space<hbm>> -> memref<10000xf32, #tpu.memory_space<hbm>>
      tpu.wait_dma2 semaphore(%run_scoped3A : memref<!tpu.dma_semaphore, #tpu.memory_space<semaphore_mem>>) src(%dma_wait3A_151 : memref<10000xf32, #tpu.memory_space<hbm>>) dst(%arg11 : memref<10000xf32, #tpu.memory_space<vmem>>)
      tpu.yield
    }) : () -> ()
    "tpu.region"() ({
      %run_scoped3A = tpu.sem_alloc : memref<!tpu.dma_semaphore, #tpu.memory_space<semaphore_mem>>
      %dma_start3A_140 = arith.constant 0 : i32
      %dma_start3A_141 = tpu.memref_slice %arg4[%add3A_14, %dma_start3A_140] : memref<128x10000xf32, #tpu.memory_space<hbm>> -> memref<1x10000xf32, #tpu.memory_space<hbm>>
      %dma_start3A_142 = tpu.memref_squeeze %dma_start3A_141 : memref<1x10000xf32, #tpu.memory_space<hbm>> -> memref<10000xf32, #tpu.memory_space<hbm>>
      %dma_start3A_143 = arith.constant 0 : i32
      %dma_start3A_144 = tpu.memref_slice %arg4[%add3A_14, %dma_start3A_143] : memref<128x10000xf32, #tpu.memory_space<hbm>> -> memref<1x10000xf32, #tpu.memory_space<hbm>>
      %dma_start3A_145 = tpu.memref_squeeze %dma_start3A_144 : memref<1x10000xf32, #tpu.memory_space<hbm>> -> memref<10000xf32, #tpu.memory_space<hbm>>
      tpu.enqueue_dma source(%dma_start3A_145 : memref<10000xf32, #tpu.memory_space<hbm>>) target(%arg13 : memref<10000xf32, #tpu.memory_space<vmem>>) target_semaphore(%run_scoped3A : memref<!tpu.dma_semaphore, #tpu.memory_space<semaphore_mem>>)
      %dma_wait3A_146 = arith.constant 0 : i32
      %dma_wait3A_147 = tpu.memref_slice %arg4[%add3A_14, %dma_wait3A_146] : memref<128x10000xf32, #tpu.memory_space<hbm>> -> memref<1x10000xf32, #tpu.memory_space<hbm>>
      %dma_wait3A_148 = tpu.memref_squeeze %dma_wait3A_147 : memref<1x10000xf32, #tpu.memory_space<hbm>> -> memref<10000xf32, #tpu.memory_space<hbm>>
      %dma_wait3A_149 = arith.constant 0 : i32
      %dma_wait3A_150 = tpu.memref_slice %arg4[%add3A_14, %dma_wait3A_149] : memref<128x10000xf32, #tpu.memory_space<hbm>> -> memref<1x10000xf32, #tpu.memory_space<hbm>>
      %dma_wait3A_151 = tpu.memref_squeeze %dma_wait3A_150 : memref<1x10000xf32, #tpu.memory_space<hbm>> -> memref<10000xf32, #tpu.memory_space<hbm>>
      tpu.wait_dma2 semaphore(%run_scoped3A : memref<!tpu.dma_semaphore, #tpu.memory_space<semaphore_mem>>) src(%dma_wait3A_151 : memref<10000xf32, #tpu.memory_space<hbm>>) dst(%arg13 : memref<10000xf32, #tpu.memory_space<vmem>>)
      tpu.yield
    }) : () -> ()
    %add3A_17 = arith.constant 1 : i32
    %add3A_18 = arith.addi %add3A_14, %add3A_17 : i32
    "tpu.region"() ({
      %run_scoped3A = tpu.sem_alloc : memref<!tpu.dma_semaphore, #tpu.memory_space<semaphore_mem>>
      %dma_start3A_140 = arith.constant 0 : i32
      %dma_start3A_141 = tpu.memref_slice %arg16[%dma_start3A_140] : memref<32000xf32, #tpu.memory_space<vmem>> -> memref<10000xf32, #tpu.memory_space<vmem>>
      %dma_start3A_142 = arith.constant 0 : i32
      %dma_start3A_143 = tpu.memref_slice %arg4[%add3A_18, %dma_start3A_142] : memref<128x10000xf32, #tpu.memory_space<hbm>> -> memref<1x10000xf32, #tpu.memory_space<hbm>>
      %dma_start3A_144 = tpu.memref_squeeze %dma_start3A_143 : memref<1x10000xf32, #tpu.memory_space<hbm>> -> memref<10000xf32, #tpu.memory_space<hbm>>
      %dma_start3A_145 = arith.constant 0 : i32
      %dma_start3A_146 = tpu.memref_slice %arg16[%dma_start3A_145] : memref<32000xf32, #tpu.memory_space<vmem>> -> memref<10000xf32, #tpu.memory_space<vmem>>
      %dma_start3A_147 = arith.constant 0 : i32
      %dma_start3A_148 = tpu.memref_slice %arg4[%add3A_18, %dma_start3A_147] : memref<128x10000xf32, #tpu.memory_space<hbm>> -> memref<1x10000xf32, #tpu.memory_space<hbm>>
      %dma_start3A_149 = tpu.memref_squeeze %dma_start3A_148 : memref<1x10000xf32, #tpu.memory_space<hbm>> -> memref<10000xf32, #tpu.memory_space<hbm>>
      tpu.enqueue_dma source(%dma_start3A_149 : memref<10000xf32, #tpu.memory_space<hbm>>) target(%dma_start3A_146 : memref<10000xf32, #tpu.memory_space<vmem>>) target_semaphore(%run_scoped3A : memref<!tpu.dma_semaphore, #tpu.memory_space<semaphore_mem>>)
      %dma_wait3A_150 = arith.constant 0 : i32
      %dma_wait3A_151 = tpu.memref_slice %arg16[%dma_wait3A_150] : memref<32000xf32, #tpu.memory_space<vmem>> -> memref<10000xf32, #tpu.memory_space<vmem>>
      %dma_wait3A_152 = arith.constant 0 : i32
      %dma_wait3A_153 = tpu.memref_slice %arg4[%add3A_18, %dma_wait3A_152] : memref<128x10000xf32, #tpu.memory_space<hbm>> -> memref<1x10000xf32, #tpu.memory_space<hbm>>
      %dma_wait3A_154 = tpu.memref_squeeze %dma_wait3A_153 : memref<1x10000xf32, #tpu.memory_space<hbm>> -> memref<10000xf32, #tpu.memory_space<hbm>>
      %dma_wait3A_155 = arith.constant 0 : i32
      %dma_wait3A_156 = tpu.memref_slice %arg16[%dma_wait3A_155] : memref<32000xf32, #tpu.memory_space<vmem>> -> memref<10000xf32, #tpu.memory_space<vmem>>
      %dma_wait3A_157 = arith.constant 0 : i32
      %dma_wait3A_158 = tpu.memref_slice %arg4[%add3A_18, %dma_wait3A_157] : memref<128x10000xf32, #tpu.memory_space<hbm>> -> memref<1x10000xf32, #tpu.memory_space<hbm>>
      %dma_wait3A_159 = tpu.memref_squeeze %dma_wait3A_158 : memref<1x10000xf32, #tpu.memory_space<hbm>> -> memref<10000xf32, #tpu.memory_space<hbm>>
      tpu.wait_dma2 semaphore(%run_scoped3A : memref<!tpu.dma_semaphore, #tpu.memory_space<semaphore_mem>>) src(%dma_wait3A_159 : memref<10000xf32, #tpu.memory_space<hbm>>) dst(%dma_wait3A_156 : memref<10000xf32, #tpu.memory_space<vmem>>)
      tpu.yield
    }) : () -> ()
    "tpu.region"() ({
      %run_scoped3A = tpu.sem_alloc : memref<!tpu.dma_semaphore, #tpu.memory_space<semaphore_mem>>
      %dma_start3A_140 = arith.constant 10000 : i32
      %dma_start3A_141 = tpu.memref_slice %arg16[%dma_start3A_140] : memref<32000xf32, #tpu.memory_space<vmem>> -> memref<10000xf32, #tpu.memory_space<vmem>>
      %dma_start3A_142 = arith.constant 0 : i32
      %dma_start3A_143 = tpu.memref_slice %arg3[%add3A_14, %dma_start3A_142] : memref<128x10000xf32, #tpu.memory_space<hbm>> -> memref<1x10000xf32, #tpu.memory_space<hbm>>
      %dma_start3A_144 = tpu.memref_squeeze %dma_start3A_143 : memref<1x10000xf32, #tpu.memory_space<hbm>> -> memref<10000xf32, #tpu.memory_space<hbm>>
      %dma_start3A_145 = arith.constant 10000 : i32
      %dma_start3A_146 = tpu.memref_slice %arg16[%dma_start3A_145] : memref<32000xf32, #tpu.memory_space<vmem>> -> memref<10000xf32, #tpu.memory_space<vmem>>
      %dma_start3A_147 = arith.constant 0 : i32
      %dma_start3A_148 = tpu.memref_slice %arg3[%add3A_14, %dma_start3A_147] : memref<128x10000xf32, #tpu.memory_space<hbm>> -> memref<1x10000xf32, #tpu.memory_space<hbm>>
      %dma_start3A_149 = tpu.memref_squeeze %dma_start3A_148 : memref<1x10000xf32, #tpu.memory_space<hbm>> -> memref<10000xf32, #tpu.memory_space<hbm>>
      tpu.enqueue_dma source(%dma_start3A_149 : memref<10000xf32, #tpu.memory_space<hbm>>) target(%dma_start3A_146 : memref<10000xf32, #tpu.memory_space<vmem>>) target_semaphore(%run_scoped3A : memref<!tpu.dma_semaphore, #tpu.memory_space<semaphore_mem>>)
      %dma_wait3A_150 = arith.constant 10000 : i32
      %dma_wait3A_151 = tpu.memref_slice %arg16[%dma_wait3A_150] : memref<32000xf32, #tpu.memory_space<vmem>> -> memref<10000xf32, #tpu.memory_space<vmem>>
      %dma_wait3A_152 = arith.constant 0 : i32
      %dma_wait3A_153 = tpu.memref_slice %arg3[%add3A_14, %dma_wait3A_152] : memref<128x10000xf32, #tpu.memory_space<hbm>> -> memref<1x10000xf32, #tpu.memory_space<hbm>>
      %dma_wait3A_154 = tpu.memref_squeeze %dma_wait3A_153 : memref<1x10000xf32, #tpu.memory_space<hbm>> -> memref<10000xf32, #tpu.memory_space<hbm>>
      %dma_wait3A_155 = arith.constant 10000 : i32
      %dma_wait3A_156 = tpu.memref_slice %arg16[%dma_wait3A_155] : memref<32000xf32, #tpu.memory_space<vmem>> -> memref<10000xf32, #tpu.memory_space<vmem>>
      %dma_wait3A_157 = arith.constant 0 : i32
      %dma_wait3A_158 = tpu.memref_slice %arg3[%add3A_14, %dma_wait3A_157] : memref<128x10000xf32, #tpu.memory_space<hbm>> -> memref<1x10000xf32, #tpu.memory_space<hbm>>
      %dma_wait3A_159 = tpu.memref_squeeze %dma_wait3A_158 : memref<1x10000xf32, #tpu.memory_space<hbm>> -> memref<10000xf32, #tpu.memory_space<hbm>>
      tpu.wait_dma2 semaphore(%run_scoped3A : memref<!tpu.dma_semaphore, #tpu.memory_space<semaphore_mem>>) src(%dma_wait3A_159 : memref<10000xf32, #tpu.memory_space<hbm>>) dst(%dma_wait3A_156 : memref<10000xf32, #tpu.memory_space<vmem>>)
      tpu.yield
    }) : () -> ()
    %add3A_19 = arith.constant 1 : i32
    %add3A_20 = arith.addi %add3A_14, %add3A_19 : i32
    "tpu.region"() ({
      %run_scoped3A = tpu.sem_alloc : memref<!tpu.dma_semaphore, #tpu.memory_space<semaphore_mem>>
      %dma_start3A_140 = arith.constant 20000 : i32
      %dma_start3A_141 = tpu.memref_slice %arg16[%dma_start3A_140] : memref<32000xf32, #tpu.memory_space<vmem>> -> memref<10000xf32, #tpu.memory_space<vmem>>
      %dma_start3A_142 = arith.constant 0 : i32
      %dma_start3A_143 = tpu.memref_slice %arg3[%add3A_20, %dma_start3A_142] : memref<128x10000xf32, #tpu.memory_space<hbm>> -> memref<1x10000xf32, #tpu.memory_space<hbm>>
      %dma_start3A_144 = tpu.memref_squeeze %dma_start3A_143 : memref<1x10000xf32, #tpu.memory_space<hbm>> -> memref<10000xf32, #tpu.memory_space<hbm>>
      %dma_start3A_145 = arith.constant 20000 : i32
      %dma_start3A_146 = tpu.memref_slice %arg16[%dma_start3A_145] : memref<32000xf32, #tpu.memory_space<vmem>> -> memref<10000xf32, #tpu.memory_space<vmem>>
      %dma_start3A_147 = arith.constant 0 : i32
      %dma_start3A_148 = tpu.memref_slice %arg3[%add3A_20, %dma_start3A_147] : memref<128x10000xf32, #tpu.memory_space<hbm>> -> memref<1x10000xf32, #tpu.memory_space<hbm>>
      %dma_start3A_149 = tpu.memref_squeeze %dma_start3A_148 : memref<1x10000xf32, #tpu.memory_space<hbm>> -> memref<10000xf32, #tpu.memory_space<hbm>>
      tpu.enqueue_dma source(%dma_start3A_149 : memref<10000xf32, #tpu.memory_space<hbm>>) target(%dma_start3A_146 : memref<10000xf32, #tpu.memory_space<vmem>>) target_semaphore(%run_scoped3A : memref<!tpu.dma_semaphore, #tpu.memory_space<semaphore_mem>>)
      %dma_wait3A_150 = arith.constant 20000 : i32
      %dma_wait3A_151 = tpu.memref_slice %arg16[%dma_wait3A_150] : memref<32000xf32, #tpu.memory_space<vmem>> -> memref<10000xf32, #tpu.memory_space<vmem>>
      %dma_wait3A_152 = arith.constant 0 : i32
      %dma_wait3A_153 = tpu.memref_slice %arg3[%add3A_20, %dma_wait3A_152] : memref<128x10000xf32, #tpu.memory_space<hbm>> -> memref<1x10000xf32, #tpu.memory_space<hbm>>
      %dma_wait3A_154 = tpu.memref_squeeze %dma_wait3A_153 : memref<1x10000xf32, #tpu.memory_space<hbm>> -> memref<10000xf32, #tpu.memory_space<hbm>>
      %dma_wait3A_155 = arith.constant 20000 : i32
      %dma_wait3A_156 = tpu.memref_slice %arg16[%dma_wait3A_155] : memref<32000xf32, #tpu.memory_space<vmem>> -> memref<10000xf32, #tpu.memory_space<vmem>>
      %dma_wait3A_157 = arith.constant 0 : i32
      %dma_wait3A_158 = tpu.memref_slice %arg3[%add3A_20, %dma_wait3A_157] : memref<128x10000xf32, #tpu.memory_space<hbm>> -> memref<1x10000xf32, #tpu.memory_space<hbm>>
      %dma_wait3A_159 = tpu.memref_squeeze %dma_wait3A_158 : memref<1x10000xf32, #tpu.memory_space<hbm>> -> memref<10000xf32, #tpu.memory_space<hbm>>
      tpu.wait_dma2 semaphore(%run_scoped3A : memref<!tpu.dma_semaphore, #tpu.memory_space<semaphore_mem>>) src(%dma_wait3A_159 : memref<10000xf32, #tpu.memory_space<hbm>>) dst(%dma_wait3A_156 : memref<10000xf32, #tpu.memory_space<vmem>>)
      tpu.yield
    }) : () -> ()
    %parallel_loop3A_21 = arith.constant 0 : i32
    %parallel_loop3A_22 = arith.constant 10000 : i32
    %parallel_loop3A_23 = arith.constant 16 : i32
    scf.for %parallel_loop3A_140 = %parallel_loop3A_21 to %parallel_loop3A_22 step %parallel_loop3A_23  : i32 {
      %parallel_loop3A_141 = arith.index_cast %parallel_loop3A_140 : i32 to index
      %parallel_loop3A_142 = tpu.vector_load %arg9[%parallel_loop3A_141] {strides = array<i32>} : memref<10000xf32, #tpu.memory_space<vmem>>, vector<16xf32>,
      %parallel_loop3A_143 = arith.index_cast %parallel_loop3A_140 : i32 to index
      %parallel_loop3A_144 = tpu.vector_load %arg11[%parallel_loop3A_143] {strides = array<i32>} : memref<10000xf32, #tpu.memory_space<vmem>>, vector<16xf32>,
      %parallel_loop3A_145 = arith.index_cast %parallel_loop3A_140 : i32 to index
      %parallel_loop3A_146 = tpu.vector_load %arg13[%parallel_loop3A_145] {strides = array<i32>} : memref<10000xf32, #tpu.memory_space<vmem>>, vector<16xf32>,
      %parallel_loop3A_147 = arith.index_cast %parallel_loop3A_140 : i32 to index
      %parallel_loop3A_148 = tpu.vector_load %arg16[%parallel_loop3A_147] {strides = array<i32>} : memref<32000xf32, #tpu.memory_space<vmem>>, vector<16xf32>,
      %parallel_loop3A_149 = arith.constant 10000 : i32
      %parallel_loop3A_150 = arith.addi %parallel_loop3A_149, %parallel_loop3A_140 : i32
      %parallel_loop3A_151 = arith.index_cast %parallel_loop3A_150 : i32 to index
      %parallel_loop3A_152 = tpu.vector_load %arg16[%parallel_loop3A_151] {strides = array<i32>} : memref<32000xf32, #tpu.memory_space<vmem>>, vector<16xf32>,
      %parallel_loop3A_153 = arith.constant 20000 : i32
      %parallel_loop3A_154 = arith.addi %parallel_loop3A_153, %parallel_loop3A_140 : i32
      %parallel_loop3A_155 = arith.index_cast %parallel_loop3A_154 : i32 to index
      %parallel_loop3A_156 = tpu.vector_load %arg16[%parallel_loop3A_155] {strides = array<i32>} : memref<32000xf32, #tpu.memory_space<vmem>>, vector<16xf32>,
      %parallel_loop3A_157 = tpu.pack_subelements %parallel_loop3A_142, %parallel_loop3A_144 {pack_format = #tpu.pack_format<interleaved>, positions = array<i32: 0, 1>} : vector<16xf32>, vector<16xf32> -> vector<32xbf16>
      %parallel_loop3A_158 = vector.bitcast %parallel_loop3A_157 : vector<32xbf16> to vector<16xf32>
      %parallel_loop3A_159 = arith.index_cast %parallel_loop3A_140 : i32 to index
      %parallel_loop3A_160 = tpu.vector_load %arg9[%parallel_loop3A_159] {strides = array<i32>} : memref<10000xf32, #tpu.memory_space<vmem>>, vector<16xf32>,
      tpu.vector_store %arg9[%parallel_loop3A_159], %parallel_loop3A_158 {strides = array<i32>} : memref<10000xf32, #tpu.memory_space<vmem>>, vector<16xf32>,
      %parallel_loop3A_161 = tpu.pack_subelements %parallel_loop3A_152, %parallel_loop3A_156 {pack_format = #tpu.pack_format<interleaved>, positions = array<i32: 0, 1>} : vector<16xf32>, vector<16xf32> -> vector<32xbf16>
      %parallel_loop3A_162 = vector.bitcast %parallel_loop3A_161 : vector<32xbf16> to vector<16xf32>
      %parallel_loop3A_163 = arith.index_cast %parallel_loop3A_140 : i32 to index
      %parallel_loop3A_164 = tpu.vector_load %arg11[%parallel_loop3A_163] {strides = array<i32>} : memref<10000xf32, #tpu.memory_space<vmem>>, vector<16xf32>,
      tpu.vector_store %arg11[%parallel_loop3A_163], %parallel_loop3A_162 {strides = array<i32>} : memref<10000xf32, #tpu.memory_space<vmem>>, vector<16xf32>,
      %parallel_loop3A_165 = arith.constant 1.500000e+00 : f32
      %parallel_loop3A_166 = vector.broadcast %parallel_loop3A_165 : f32 to vector<16xf32>
      %parallel_loop3A_167 = arith.mulf %parallel_loop3A_166, %parallel_loop3A_146 : vector<16xf32>
      %parallel_loop3A_168 = arith.divf %parallel_loop3A_142, %parallel_loop3A_167 : vector<16xf32>
      %parallel_loop3A_169 = arith.constant 1.500000e+00 : f32
      %parallel_loop3A_170 = vector.broadcast %parallel_loop3A_169 : f32 to vector<16xf32>
      %parallel_loop3A_171 = arith.mulf %parallel_loop3A_170, %parallel_loop3A_148 : vector<16xf32>
      %parallel_loop3A_172 = arith.divf %parallel_loop3A_144, %parallel_loop3A_171 : vector<16xf32>
      %parallel_loop3A_173 = tpu.pack_subelements %parallel_loop3A_168, %parallel_loop3A_172 {pack_format = #tpu.pack_format<interleaved>, positions = array<i32: 0, 1>} : vector<16xf32>, vector<16xf32> -> vector<32xbf16>
      %parallel_loop3A_174 = vector.bitcast %parallel_loop3A_173 : vector<32xbf16> to vector<16xf32>
      %parallel_loop3A_175 = arith.index_cast %parallel_loop3A_140 : i32 to index
      %parallel_loop3A_176 = tpu.vector_load %arg13[%parallel_loop3A_175] {strides = array<i32>} : memref<10000xf32, #tpu.memory_space<vmem>>, vector<16xf32>,
      tpu.vector_store %arg13[%parallel_loop3A_175], %parallel_loop3A_174 {strides = array<i32>} : memref<10000xf32, #tpu.memory_space<vmem>>, vector<16xf32>,
    } {sc.loop_unroll_factor = 4 : i64, sc.parallel_access}
    %dma_start3A = arith.constant 0 : i32
    %dma_start3A_24 = tpu.memref_slice %arg14[%dma_start3A] : memref<8000xi32, #tpu.memory_space<vmem>> -> memref<4000xi32, #tpu.memory_space<vmem>>
    %dma_start3A_25 = arith.constant 0 : i32
    %dma_start3A_26 = tpu.memref_slice %arg5[%dma_start3A_25] : memref<320000xi32, #tpu.memory_space<hbm>> -> memref<4000xi32, #tpu.memory_space<hbm>>
    %dma_start3A_27 = arith.constant 0 : i32
    %dma_start3A_28 = tpu.memref_slice %arg14[%dma_start3A_27] : memref<8000xi32, #tpu.memory_space<vmem>> -> memref<4000xi32, #tpu.memory_space<vmem>>
    %dma_start3A_29 = arith.constant 0 : i32
    %dma_start3A_30 = tpu.memref_slice %arg5[%dma_start3A_29] : memref<320000xi32, #tpu.memory_space<hbm>> -> memref<4000xi32, #tpu.memory_space<hbm>>
    tpu.enqueue_dma source(%dma_start3A_30 : memref<4000xi32, #tpu.memory_space<hbm>>) target(%dma_start3A_28 : memref<4000xi32, #tpu.memory_space<vmem>>) target_semaphore(%arg17 : memref<!tpu.dma_semaphore, #tpu.memory_space<semaphore_mem>>)
    %dma_start3A_31 = arith.constant 0 : i32
    %dma_start3A_32 = tpu.memref_slice %arg15[%dma_start3A_31] : memref<8000xi32, #tpu.memory_space<vmem>> -> memref<4000xi32, #tpu.memory_space<vmem>>
    %dma_start3A_33 = arith.constant 0 : i32
    %dma_start3A_34 = tpu.memref_slice %arg6[%dma_start3A_33] : memref<320000xi32, #tpu.memory_space<hbm>> -> memref<4000xi32, #tpu.memory_space<hbm>>
    %dma_start3A_35 = arith.constant 0 : i32
    %dma_start3A_36 = tpu.memref_slice %arg15[%dma_start3A_35] : memref<8000xi32, #tpu.memory_space<vmem>> -> memref<4000xi32, #tpu.memory_space<vmem>>
    %dma_start3A_37 = arith.constant 0 : i32
    %dma_start3A_38 = tpu.memref_slice %arg6[%dma_start3A_37] : memref<320000xi32, #tpu.memory_space<hbm>> -> memref<4000xi32, #tpu.memory_space<hbm>>
    tpu.enqueue_dma source(%dma_start3A_38 : memref<4000xi32, #tpu.memory_space<hbm>>) target(%dma_start3A_36 : memref<4000xi32, #tpu.memory_space<vmem>>) target_semaphore(%arg17 : memref<!tpu.dma_semaphore, #tpu.memory_space<semaphore_mem>>)
    %scan3A = arith.constant 0 : i32
    %scan3A_39 = arith.constant 0 : i32
    %scan3A_40 = arith.constant 40 : i32
    %scan3A_41 = arith.addi %scan3A_39, %scan3A_40 : i32
    %scan3A_42 = arith.constant 1 : i32
    %scan3A_43 = scf.for %scan3A_140 = %scan3A_39 to %scan3A_41 step %scan3A_42 iter_args(%scan3A_141 = %scan3A) -> (i32)  : i32 {
      %mul3A_142 = arith.constant 2 : i32
      %mul3A_143 = arith.muli %scan3A_140, %mul3A_142 : i32
      %add3A_144 = arith.constant 0 : i32
      %add3A_145 = arith.addi %mul3A_143, %add3A_144 : i32
      %mul3A_146 = arith.constant 4000 : i32
      %mul3A_147 = arith.muli %add3A_145, %mul3A_146 : i32
      %dma_wait3A_148 = arith.constant 0 : i32
      %dma_wait3A_149 = tpu.memref_slice %arg14[%dma_wait3A_148] : memref<8000xi32, #tpu.memory_space<vmem>> -> memref<4000xi32, #tpu.memory_space<vmem>>
      %dma_wait3A_150 = tpu.memref_slice %arg5[%mul3A_147] : memref<320000xi32, #tpu.memory_space<hbm>> -> memref<4000xi32, #tpu.memory_space<hbm>>
      %dma_wait3A_151 = arith.constant 0 : i32
      %dma_wait3A_152 = tpu.memref_slice %arg14[%dma_wait3A_151] : memref<8000xi32, #tpu.memory_space<vmem>> -> memref<4000xi32, #tpu.memory_space<vmem>>
      %dma_wait3A_153 = tpu.memref_slice %arg5[%mul3A_147] : memref<320000xi32, #tpu.memory_space<hbm>> -> memref<4000xi32, #tpu.memory_space<hbm>>
      tpu.wait_dma2 semaphore(%arg17 : memref<!tpu.dma_semaphore, #tpu.memory_space<semaphore_mem>>) src(%dma_wait3A_153 : memref<4000xi32, #tpu.memory_space<hbm>>) dst(%dma_wait3A_152 : memref<4000xi32, #tpu.memory_space<vmem>>)
      %dma_wait3A_154 = arith.constant 0 : i32
      %dma_wait3A_155 = tpu.memref_slice %arg15[%dma_wait3A_154] : memref<8000xi32, #tpu.memory_space<vmem>> -> memref<4000xi32, #tpu.memory_space<vmem>>
      %dma_wait3A_156 = tpu.memref_slice %arg6[%mul3A_147] : memref<320000xi32, #tpu.memory_space<hbm>> -> memref<4000xi32, #tpu.memory_space<hbm>>
      %dma_wait3A_157 = arith.constant 0 : i32
      %dma_wait3A_158 = tpu.memref_slice %arg15[%dma_wait3A_157] : memref<8000xi32, #tpu.memory_space<vmem>> -> memref<4000xi32, #tpu.memory_space<vmem>>
      %dma_wait3A_159 = tpu.memref_slice %arg6[%mul3A_147] : memref<320000xi32, #tpu.memory_space<hbm>> -> memref<4000xi32, #tpu.memory_space<hbm>>
      tpu.wait_dma2 semaphore(%arg17 : memref<!tpu.dma_semaphore, #tpu.memory_space<semaphore_mem>>) src(%dma_wait3A_159 : memref<4000xi32, #tpu.memory_space<hbm>>) dst(%dma_wait3A_158 : memref<4000xi32, #tpu.memory_space<vmem>>)
      %lt3A = arith.constant 79 : i32
      %lt3A_160 = arith.cmpi slt, %add3A_145, %lt3A : i32
      %convert_element_type3A = arith.extui %lt3A_160 : i1 to i32
      %cond3A = arith.constant 0 : i32
      %cond3A_161 = arith.cmpi ne, %convert_element_type3A, %cond3A : i32
      scf.if %cond3A_161 {
        %add3A_285 = arith.constant 1 : i32
        %add3A_286 = arith.addi %add3A_145, %add3A_285 : i32
        %mul3A_287 = arith.constant 4000 : i32
        %mul3A_288 = arith.muli %add3A_286, %mul3A_287 : i32
        %dma_start3A_289 = arith.constant 4000 : i32
        %dma_start3A_290 = tpu.memref_slice %arg14[%dma_start3A_289] : memref<8000xi32, #tpu.memory_space<vmem>> -> memref<4000xi32, #tpu.memory_space<vmem>>
        %dma_start3A_291 = tpu.memref_slice %arg5[%mul3A_288] : memref<320000xi32, #tpu.memory_space<hbm>> -> memref<4000xi32, #tpu.memory_space<hbm>>
        %dma_start3A_292 = arith.constant 4000 : i32
        %dma_start3A_293 = tpu.memref_slice %arg14[%dma_start3A_292] : memref<8000xi32, #tpu.memory_space<vmem>> -> memref<4000xi32, #tpu.memory_space<vmem>>
        %dma_start3A_294 = tpu.memref_slice %arg5[%mul3A_288] : memref<320000xi32, #tpu.memory_space<hbm>> -> memref<4000xi32, #tpu.memory_space<hbm>>
        tpu.enqueue_dma source(%dma_start3A_294 : memref<4000xi32, #tpu.memory_space<hbm>>) target(%dma_start3A_293 : memref<4000xi32, #tpu.memory_space<vmem>>) target_semaphore(%arg18 : memref<!tpu.dma_semaphore, #tpu.memory_space<semaphore_mem>>)
        %dma_start3A_295 = arith.constant 4000 : i32
        %dma_start3A_296 = tpu.memref_slice %arg15[%dma_start3A_295] : memref<8000xi32, #tpu.memory_space<vmem>> -> memref<4000xi32, #tpu.memory_space<vmem>>
        %dma_start3A_297 = tpu.memref_slice %arg6[%mul3A_288] : memref<320000xi32, #tpu.memory_space<hbm>> -> memref<4000xi32, #tpu.memory_space<hbm>>
        %dma_start3A_298 = arith.constant 4000 : i32
        %dma_start3A_299 = tpu.memref_slice %arg15[%dma_start3A_298] : memref<8000xi32, #tpu.memory_space<vmem>> -> memref<4000xi32, #tpu.memory_space<vmem>>
        %dma_start3A_300 = tpu.memref_slice %arg6[%mul3A_288] : memref<320000xi32, #tpu.memory_space<hbm>> -> memref<4000xi32, #tpu.memory_space<hbm>>
        tpu.enqueue_dma source(%dma_start3A_300 : memref<4000xi32, #tpu.memory_space<hbm>>) target(%dma_start3A_299 : memref<4000xi32, #tpu.memory_space<vmem>>) target_semaphore(%arg18 : memref<!tpu.dma_semaphore, #tpu.memory_space<semaphore_mem>>)
      } else {
      }
      %ge3A = arith.constant 1 : i32
      %ge3A_162 = arith.cmpi sge, %scan3A_140, %ge3A : i32
      %convert_element_type3A_163 = arith.extui %ge3A_162 : i1 to i32
      %cond3A_164 = arith.constant 0 : i32
      %cond3A_165 = arith.cmpi ne, %convert_element_type3A_163, %cond3A_164 : i32
      scf.if %cond3A_165 {
        %sub3A = arith.constant 2 : i32
        %sub3A_285 = arith.subi %add3A_145, %sub3A : i32
        %mul3A_286 = arith.constant 4000 : i32
        %mul3A_287 = arith.muli %sub3A_285, %mul3A_286 : i32
        %add3A_288 = arith.constant 0 : i32
        %add3A_289 = arith.addi %mul3A_2, %add3A_288 : i32
        %add3A_290 = arith.constant 1 : i32
        %add3A_291 = arith.addi %mul3A_2, %add3A_290 : i32
        %add3A_292 = arith.constant 2 : i32
        %add3A_293 = arith.addi %mul3A_2, %add3A_292 : i32
        %add3A_294 = arith.constant 3 : i32
        %add3A_295 = arith.addi %mul3A_2, %add3A_294 : i32
        %dma_wait3A_296 = arith.constant 0 : i32
        %dma_wait3A_297 = tpu.memref_slice %arg16[%dma_wait3A_296] : memref<32000xf32, #tpu.memory_space<vmem>> -> memref<4000xf32, #tpu.memory_space<vmem>>
        %dma_wait3A_298 = tpu.memref_slice %arg7[%add3A_289, %mul3A_287] : memref<128x320000xf32, #tpu.memory_space<hbm>> -> memref<1x4000xf32, #tpu.memory_space<hbm>>
        %dma_wait3A_299 = tpu.memref_squeeze %dma_wait3A_298 : memref<1x4000xf32, #tpu.memory_space<hbm>> -> memref<4000xf32, #tpu.memory_space<hbm>>
        %dma_wait3A_300 = tpu.memref_slice %arg7[%add3A_289, %mul3A_287] : memref<128x320000xf32, #tpu.memory_space<hbm>> -> memref<1x4000xf32, #tpu.memory_space<hbm>>
        %dma_wait3A_301 = tpu.memref_squeeze %dma_wait3A_300 : memref<1x4000xf32, #tpu.memory_space<hbm>> -> memref<4000xf32, #tpu.memory_space<hbm>>
        %dma_wait3A_302 = arith.constant 0 : i32
        %dma_wait3A_303 = tpu.memref_slice %arg16[%dma_wait3A_302] : memref<32000xf32, #tpu.memory_space<vmem>> -> memref<4000xf32, #tpu.memory_space<vmem>>
        tpu.wait_dma2 semaphore(%arg19 : memref<!tpu.dma_semaphore, #tpu.memory_space<semaphore_mem>>) src(%dma_wait3A_303 : memref<4000xf32, #tpu.memory_space<vmem>>) dst(%dma_wait3A_301 : memref<4000xf32, #tpu.memory_space<hbm>>)
        %dma_wait3A_304 = arith.constant 4000 : i32
        %dma_wait3A_305 = tpu.memref_slice %arg16[%dma_wait3A_304] : memref<32000xf32, #tpu.memory_space<vmem>> -> memref<4000xf32, #tpu.memory_space<vmem>>
        %dma_wait3A_306 = tpu.memref_slice %arg7[%add3A_291, %mul3A_287] : memref<128x320000xf32, #tpu.memory_space<hbm>> -> memref<1x4000xf32, #tpu.memory_space<hbm>>
        %dma_wait3A_307 = tpu.memref_squeeze %dma_wait3A_306 : memref<1x4000xf32, #tpu.memory_space<hbm>> -> memref<4000xf32, #tpu.memory_space<hbm>>
        %dma_wait3A_308 = tpu.memref_slice %arg7[%add3A_291, %mul3A_287] : memref<128x320000xf32, #tpu.memory_space<hbm>> -> memref<1x4000xf32, #tpu.memory_space<hbm>>
        %dma_wait3A_309 = tpu.memref_squeeze %dma_wait3A_308 : memref<1x4000xf32, #tpu.memory_space<hbm>> -> memref<4000xf32, #tpu.memory_space<hbm>>
        %dma_wait3A_310 = arith.constant 4000 : i32
        %dma_wait3A_311 = tpu.memref_slice %arg16[%dma_wait3A_310] : memref<32000xf32, #tpu.memory_space<vmem>> -> memref<4000xf32, #tpu.memory_space<vmem>>
        tpu.wait_dma2 semaphore(%arg19 : memref<!tpu.dma_semaphore, #tpu.memory_space<semaphore_mem>>) src(%dma_wait3A_311 : memref<4000xf32, #tpu.memory_space<vmem>>) dst(%dma_wait3A_309 : memref<4000xf32, #tpu.memory_space<hbm>>)
        %dma_wait3A_312 = arith.constant 8000 : i32
        %dma_wait3A_313 = tpu.memref_slice %arg16[%dma_wait3A_312] : memref<32000xf32, #tpu.memory_space<vmem>> -> memref<4000xf32, #tpu.memory_space<vmem>>
        %dma_wait3A_314 = tpu.memref_slice %arg7[%add3A_293, %mul3A_287] : memref<128x320000xf32, #tpu.memory_space<hbm>> -> memref<1x4000xf32, #tpu.memory_space<hbm>>
        %dma_wait3A_315 = tpu.memref_squeeze %dma_wait3A_314 : memref<1x4000xf32, #tpu.memory_space<hbm>> -> memref<4000xf32, #tpu.memory_space<hbm>>
        %dma_wait3A_316 = tpu.memref_slice %arg7[%add3A_293, %mul3A_287] : memref<128x320000xf32, #tpu.memory_space<hbm>> -> memref<1x4000xf32, #tpu.memory_space<hbm>>
        %dma_wait3A_317 = tpu.memref_squeeze %dma_wait3A_316 : memref<1x4000xf32, #tpu.memory_space<hbm>> -> memref<4000xf32, #tpu.memory_space<hbm>>
        %dma_wait3A_318 = arith.constant 8000 : i32
        %dma_wait3A_319 = tpu.memref_slice %arg16[%dma_wait3A_318] : memref<32000xf32, #tpu.memory_space<vmem>> -> memref<4000xf32, #tpu.memory_space<vmem>>
        tpu.wait_dma2 semaphore(%arg19 : memref<!tpu.dma_semaphore, #tpu.memory_space<semaphore_mem>>) src(%dma_wait3A_319 : memref<4000xf32, #tpu.memory_space<vmem>>) dst(%dma_wait3A_317 : memref<4000xf32, #tpu.memory_space<hbm>>)
        %dma_wait3A_320 = arith.constant 12000 : i32
        %dma_wait3A_321 = tpu.memref_slice %arg16[%dma_wait3A_320] : memref<32000xf32, #tpu.memory_space<vmem>> -> memref<4000xf32, #tpu.memory_space<vmem>>
        %dma_wait3A_322 = tpu.memref_slice %arg7[%add3A_295, %mul3A_287] : memref<128x320000xf32, #tpu.memory_space<hbm>> -> memref<1x4000xf32, #tpu.memory_space<hbm>>
        %dma_wait3A_323 = tpu.memref_squeeze %dma_wait3A_322 : memref<1x4000xf32, #tpu.memory_space<hbm>> -> memref<4000xf32, #tpu.memory_space<hbm>>
        %dma_wait3A_324 = tpu.memref_slice %arg7[%add3A_295, %mul3A_287] : memref<128x320000xf32, #tpu.memory_space<hbm>> -> memref<1x4000xf32, #tpu.memory_space<hbm>>
        %dma_wait3A_325 = tpu.memref_squeeze %dma_wait3A_324 : memref<1x4000xf32, #tpu.memory_space<hbm>> -> memref<4000xf32, #tpu.memory_space<hbm>>
        %dma_wait3A_326 = arith.constant 12000 : i32
        %dma_wait3A_327 = tpu.memref_slice %arg16[%dma_wait3A_326] : memref<32000xf32, #tpu.memory_space<vmem>> -> memref<4000xf32, #tpu.memory_space<vmem>>
        tpu.wait_dma2 semaphore(%arg19 : memref<!tpu.dma_semaphore, #tpu.memory_space<semaphore_mem>>) src(%dma_wait3A_327 : memref<4000xf32, #tpu.memory_space<vmem>>) dst(%dma_wait3A_325 : memref<4000xf32, #tpu.memory_space<hbm>>)
      } else {
      }
      %parallel_loop3A_166 = arith.constant 0 : i32
      %parallel_loop3A_167 = arith.constant 4000 : i32
      %parallel_loop3A_168 = arith.constant 16 : i32
      scf.for %parallel_loop3A_285 = %parallel_loop3A_166 to %parallel_loop3A_167 step %parallel_loop3A_168  : i32 {
        %parallel_loop3A_286 = arith.constant 0 : i32
        %parallel_loop3A_287 = arith.addi %parallel_loop3A_286, %parallel_loop3A_285 : i32
        %parallel_loop3A_288 = arith.index_cast %parallel_loop3A_287 : i32 to index
        %parallel_loop3A_289 = tpu.vector_load %arg14[%parallel_loop3A_288] {strides = array<i32>} : memref<8000xi32, #tpu.memory_space<vmem>>, vector<16xi32>,
        %parallel_loop3A_290 = arith.constant 0 : i32
        %parallel_loop3A_291 = arith.addi %parallel_loop3A_290, %parallel_loop3A_285 : i32
        %parallel_loop3A_292 = arith.index_cast %parallel_loop3A_291 : i32 to index
        %parallel_loop3A_293 = tpu.vector_load %arg15[%parallel_loop3A_292] {strides = array<i32>} : memref<8000xi32, #tpu.memory_space<vmem>>, vector<16xi32>,
        %parallel_loop3A_294 = tpu.vector_load_idx %arg8[%parallel_loop3A_289] : memref<10000xf32, #tpu.memory_space<vmem>>[vector<16xi32>], vector<16xf32>,
        %parallel_loop3A_295 = vector.bitcast %parallel_loop3A_294 : vector<16xf32> to vector<32xbf16>
        %parallel_loop3A_296 = tpu.vector_load_idx %arg8[%parallel_loop3A_293] : memref<10000xf32, #tpu.memory_space<vmem>>[vector<16xi32>], vector<16xf32>,
        %parallel_loop3A_297 = vector.bitcast %parallel_loop3A_296 : vector<16xf32> to vector<32xbf16>
        %parallel_loop3A_298 = tpu.vector_load_idx %arg10[%parallel_loop3A_289] : memref<10000xf32, #tpu.memory_space<vmem>>[vector<16xi32>], vector<16xf32>,
        %parallel_loop3A_299 = vector.bitcast %parallel_loop3A_298 : vector<16xf32> to vector<32xbf16>
        %parallel_loop3A_300 = tpu.vector_load_idx %arg10[%parallel_loop3A_293] : memref<10000xf32, #tpu.memory_space<vmem>>[vector<16xi32>], vector<16xf32>,
        %parallel_loop3A_301 = vector.bitcast %parallel_loop3A_300 : vector<16xf32> to vector<32xbf16>
        %parallel_loop3A_302 = tpu.vector_load_idx %arg12[%parallel_loop3A_289] : memref<10000xf32, #tpu.memory_space<vmem>>[vector<16xi32>], vector<16xf32>,
        %parallel_loop3A_303 = vector.bitcast %parallel_loop3A_302 : vector<16xf32> to vector<32xbf16>
        %parallel_loop3A_304 = tpu.vector_load_idx %arg12[%parallel_loop3A_293] : memref<10000xf32, #tpu.memory_space<vmem>>[vector<16xi32>], vector<16xf32>,
        %parallel_loop3A_305 = vector.bitcast %parallel_loop3A_304 : vector<16xf32> to vector<32xbf16>
        %parallel_loop3A_306 = arith.mulf %parallel_loop3A_295, %parallel_loop3A_301 : vector<32xbf16>
        %parallel_loop3A_307 = arith.mulf %parallel_loop3A_297, %parallel_loop3A_299 : vector<32xbf16>
        %parallel_loop3A_308 = arith.addf %parallel_loop3A_306, %parallel_loop3A_307 : vector<32xbf16>
        %parallel_loop3A_309 = arith.addf %parallel_loop3A_303, %parallel_loop3A_305 : vector<32xbf16>
        %parallel_loop3A_310 = tpu.unpack_subelements %parallel_loop3A_308, 0 {pack_format = #tpu.pack_format<interleaved>} : vector<32xbf16> -> vector<16xf32>
        %parallel_loop3A_311 = tpu.unpack_subelements %parallel_loop3A_308, 1 {pack_format = #tpu.pack_format<interleaved>} : vector<32xbf16> -> vector<16xf32>
        %parallel_loop3A_312 = tpu.unpack_subelements %parallel_loop3A_309, 0 {pack_format = #tpu.pack_format<interleaved>} : vector<32xbf16> -> vector<16xf32>
        %parallel_loop3A_313 = tpu.unpack_subelements %parallel_loop3A_309, 1 {pack_format = #tpu.pack_format<interleaved>} : vector<32xbf16> -> vector<16xf32>
        %parallel_loop3A_314 = arith.divf %parallel_loop3A_310, %parallel_loop3A_312 : vector<16xf32>
        %parallel_loop3A_315 = arith.constant 0 : i32
        %parallel_loop3A_316 = arith.addi %parallel_loop3A_315, %parallel_loop3A_285 : i32
        %parallel_loop3A_317 = arith.index_cast %parallel_loop3A_316 : i32 to index
        %parallel_loop3A_318 = tpu.vector_load %arg16[%parallel_loop3A_317] {strides = array<i32>} : memref<32000xf32, #tpu.memory_space<vmem>>, vector<16xf32>,
        tpu.vector_store %arg16[%parallel_loop3A_317], %parallel_loop3A_314 {strides = array<i32>} : memref<32000xf32, #tpu.memory_space<vmem>>, vector<16xf32>,
        %parallel_loop3A_319 = arith.divf %parallel_loop3A_311, %parallel_loop3A_313 : vector<16xf32>
        %parallel_loop3A_320 = arith.constant 4000 : i32
        %parallel_loop3A_321 = arith.addi %parallel_loop3A_320, %parallel_loop3A_285 : i32
        %parallel_loop3A_322 = arith.index_cast %parallel_loop3A_321 : i32 to index
        %parallel_loop3A_323 = tpu.vector_load %arg16[%parallel_loop3A_322] {strides = array<i32>} : memref<32000xf32, #tpu.memory_space<vmem>>, vector<16xf32>,
        tpu.vector_store %arg16[%parallel_loop3A_322], %parallel_loop3A_319 {strides = array<i32>} : memref<32000xf32, #tpu.memory_space<vmem>>, vector<16xf32>,
        %parallel_loop3A_324 = tpu.vector_load_idx %arg9[%parallel_loop3A_289] : memref<10000xf32, #tpu.memory_space<vmem>>[vector<16xi32>], vector<16xf32>,
        %parallel_loop3A_325 = vector.bitcast %parallel_loop3A_324 : vector<16xf32> to vector<32xbf16>
        %parallel_loop3A_326 = tpu.vector_load_idx %arg9[%parallel_loop3A_293] : memref<10000xf32, #tpu.memory_space<vmem>>[vector<16xi32>], vector<16xf32>,
        %parallel_loop3A_327 = vector.bitcast %parallel_loop3A_326 : vector<16xf32> to vector<32xbf16>
        %parallel_loop3A_328 = tpu.vector_load_idx %arg11[%parallel_loop3A_289] : memref<10000xf32, #tpu.memory_space<vmem>>[vector<16xi32>], vector<16xf32>,
        %parallel_loop3A_329 = vector.bitcast %parallel_loop3A_328 : vector<16xf32> to vector<32xbf16>
        %parallel_loop3A_330 = tpu.vector_load_idx %arg11[%parallel_loop3A_293] : memref<10000xf32, #tpu.memory_space<vmem>>[vector<16xi32>], vector<16xf32>,
        %parallel_loop3A_331 = vector.bitcast %parallel_loop3A_330 : vector<16xf32> to vector<32xbf16>
        %parallel_loop3A_332 = tpu.vector_load_idx %arg13[%parallel_loop3A_289] : memref<10000xf32, #tpu.memory_space<vmem>>[vector<16xi32>], vector<16xf32>,
        %parallel_loop3A_333 = vector.bitcast %parallel_loop3A_332 : vector<16xf32> to vector<32xbf16>
        %parallel_loop3A_334 = tpu.vector_load_idx %arg13[%parallel_loop3A_293] : memref<10000xf32, #tpu.memory_space<vmem>>[vector<16xi32>], vector<16xf32>,
        %parallel_loop3A_335 = vector.bitcast %parallel_loop3A_334 : vector<16xf32> to vector<32xbf16>
        %parallel_loop3A_336 = arith.mulf %parallel_loop3A_325, %parallel_loop3A_331 : vector<32xbf16>
        %parallel_loop3A_337 = arith.mulf %parallel_loop3A_327, %parallel_loop3A_329 : vector<32xbf16>
        %parallel_loop3A_338 = arith.addf %parallel_loop3A_336, %parallel_loop3A_337 : vector<32xbf16>
        %parallel_loop3A_339 = arith.addf %parallel_loop3A_333, %parallel_loop3A_335 : vector<32xbf16>
        %parallel_loop3A_340 = tpu.unpack_subelements %parallel_loop3A_338, 0 {pack_format = #tpu.pack_format<interleaved>} : vector<32xbf16> -> vector<16xf32>
        %parallel_loop3A_341 = tpu.unpack_subelements %parallel_loop3A_338, 1 {pack_format = #tpu.pack_format<interleaved>} : vector<32xbf16> -> vector<16xf32>
        %parallel_loop3A_342 = tpu.unpack_subelements %parallel_loop3A_339, 0 {pack_format = #tpu.pack_format<interleaved>} : vector<32xbf16> -> vector<16xf32>
        %parallel_loop3A_343 = tpu.unpack_subelements %parallel_loop3A_339, 1 {pack_format = #tpu.pack_format<interleaved>} : vector<32xbf16> -> vector<16xf32>
        %parallel_loop3A_344 = arith.divf %parallel_loop3A_340, %parallel_loop3A_342 : vector<16xf32>
        %parallel_loop3A_345 = arith.constant 8000 : i32
        %parallel_loop3A_346 = arith.addi %parallel_loop3A_345, %parallel_loop3A_285 : i32
        %parallel_loop3A_347 = arith.index_cast %parallel_loop3A_346 : i32 to index
        %parallel_loop3A_348 = tpu.vector_load %arg16[%parallel_loop3A_347] {strides = array<i32>} : memref<32000xf32, #tpu.memory_space<vmem>>, vector<16xf32>,
        tpu.vector_store %arg16[%parallel_loop3A_347], %parallel_loop3A_344 {strides = array<i32>} : memref<32000xf32, #tpu.memory_space<vmem>>, vector<16xf32>,
        %parallel_loop3A_349 = arith.divf %parallel_loop3A_341, %parallel_loop3A_343 : vector<16xf32>
        %parallel_loop3A_350 = arith.constant 12000 : i32
        %parallel_loop3A_351 = arith.addi %parallel_loop3A_350, %parallel_loop3A_285 : i32
        %parallel_loop3A_352 = arith.index_cast %parallel_loop3A_351 : i32 to index
        %parallel_loop3A_353 = tpu.vector_load %arg16[%parallel_loop3A_352] {strides = array<i32>} : memref<32000xf32, #tpu.memory_space<vmem>>, vector<16xf32>,
        tpu.vector_store %arg16[%parallel_loop3A_352], %parallel_loop3A_349 {strides = array<i32>} : memref<32000xf32, #tpu.memory_space<vmem>>, vector<16xf32>,
      } {sc.loop_unroll_factor = 2 : i64, sc.parallel_access}
      %mul3A_169 = arith.constant 4000 : i32
      %mul3A_170 = arith.muli %add3A_145, %mul3A_169 : i32
      %add3A_171 = arith.constant 0 : i32
      %add3A_172 = arith.addi %mul3A_2, %add3A_171 : i32
      %add3A_173 = arith.constant 1 : i32
      %add3A_174 = arith.addi %mul3A_2, %add3A_173 : i32
      %add3A_175 = arith.constant 2 : i32
      %add3A_176 = arith.addi %mul3A_2, %add3A_175 : i32
      %add3A_177 = arith.constant 3 : i32
      %add3A_178 = arith.addi %mul3A_2, %add3A_177 : i32
      %dma_start3A_179 = arith.constant 0 : i32
      %dma_start3A_180 = tpu.memref_slice %arg16[%dma_start3A_179] : memref<32000xf32, #tpu.memory_space<vmem>> -> memref<4000xf32, #tpu.memory_space<vmem>>
      %dma_start3A_181 = tpu.memref_slice %arg7[%add3A_172, %mul3A_170] : memref<128x320000xf32, #tpu.memory_space<hbm>> -> memref<1x4000xf32, #tpu.memory_space<hbm>>
      %dma_start3A_182 = tpu.memref_squeeze %dma_start3A_181 : memref<1x4000xf32, #tpu.memory_space<hbm>> -> memref<4000xf32, #tpu.memory_space<hbm>>
      %dma_start3A_183 = tpu.memref_slice %arg7[%add3A_172, %mul3A_170] : memref<128x320000xf32, #tpu.memory_space<hbm>> -> memref<1x4000xf32, #tpu.memory_space<hbm>>
      %dma_start3A_184 = tpu.memref_squeeze %dma_start3A_183 : memref<1x4000xf32, #tpu.memory_space<hbm>> -> memref<4000xf32, #tpu.memory_space<hbm>>
      %dma_start3A_185 = arith.constant 0 : i32
      %dma_start3A_186 = tpu.memref_slice %arg16[%dma_start3A_185] : memref<32000xf32, #tpu.memory_space<vmem>> -> memref<4000xf32, #tpu.memory_space<vmem>>
      tpu.enqueue_dma source(%dma_start3A_186 : memref<4000xf32, #tpu.memory_space<vmem>>) target(%dma_start3A_184 : memref<4000xf32, #tpu.memory_space<hbm>>) target_semaphore(%arg19 : memref<!tpu.dma_semaphore, #tpu.memory_space<semaphore_mem>>)
      %dma_start3A_187 = arith.constant 4000 : i32
      %dma_start3A_188 = tpu.memref_slice %arg16[%dma_start3A_187] : memref<32000xf32, #tpu.memory_space<vmem>> -> memref<4000xf32, #tpu.memory_space<vmem>>
      %dma_start3A_189 = tpu.memref_slice %arg7[%add3A_174, %mul3A_170] : memref<128x320000xf32, #tpu.memory_space<hbm>> -> memref<1x4000xf32, #tpu.memory_space<hbm>>
      %dma_start3A_190 = tpu.memref_squeeze %dma_start3A_189 : memref<1x4000xf32, #tpu.memory_space<hbm>> -> memref<4000xf32, #tpu.memory_space<hbm>>
      %dma_start3A_191 = tpu.memref_slice %arg7[%add3A_174, %mul3A_170] : memref<128x320000xf32, #tpu.memory_space<hbm>> -> memref<1x4000xf32, #tpu.memory_space<hbm>>
      %dma_start3A_192 = tpu.memref_squeeze %dma_start3A_191 : memref<1x4000xf32, #tpu.memory_space<hbm>> -> memref<4000xf32, #tpu.memory_space<hbm>>
      %dma_start3A_193 = arith.constant 4000 : i32
      %dma_start3A_194 = tpu.memref_slice %arg16[%dma_start3A_193] : memref<32000xf32, #tpu.memory_space<vmem>> -> memref<4000xf32, #tpu.memory_space<vmem>>
      tpu.enqueue_dma source(%dma_start3A_194 : memref<4000xf32, #tpu.memory_space<vmem>>) target(%dma_start3A_192 : memref<4000xf32, #tpu.memory_space<hbm>>) target_semaphore(%arg19 : memref<!tpu.dma_semaphore, #tpu.memory_space<semaphore_mem>>)
      %dma_start3A_195 = arith.constant 8000 : i32
      %dma_start3A_196 = tpu.memref_slice %arg16[%dma_start3A_195] : memref<32000xf32, #tpu.memory_space<vmem>> -> memref<4000xf32, #tpu.memory_space<vmem>>
      %dma_start3A_197 = tpu.memref_slice %arg7[%add3A_176, %mul3A_170] : memref<128x320000xf32, #tpu.memory_space<hbm>> -> memref<1x4000xf32, #tpu.memory_space<hbm>>
      %dma_start3A_198 = tpu.memref_squeeze %dma_start3A_197 : memref<1x4000xf32, #tpu.memory_space<hbm>> -> memref<4000xf32, #tpu.memory_space<hbm>>
      %dma_start3A_199 = tpu.memref_slice %arg7[%add3A_176, %mul3A_170] : memref<128x320000xf32, #tpu.memory_space<hbm>> -> memref<1x4000xf32, #tpu.memory_space<hbm>>
      %dma_start3A_200 = tpu.memref_squeeze %dma_start3A_199 : memref<1x4000xf32, #tpu.memory_space<hbm>> -> memref<4000xf32, #tpu.memory_space<hbm>>
      %dma_start3A_201 = arith.constant 8000 : i32
      %dma_start3A_202 = tpu.memref_slice %arg16[%dma_start3A_201] : memref<32000xf32, #tpu.memory_space<vmem>> -> memref<4000xf32, #tpu.memory_space<vmem>>
      tpu.enqueue_dma source(%dma_start3A_202 : memref<4000xf32, #tpu.memory_space<vmem>>) target(%dma_start3A_200 : memref<4000xf32, #tpu.memory_space<hbm>>) target_semaphore(%arg19 : memref<!tpu.dma_semaphore, #tpu.memory_space<semaphore_mem>>)
      %dma_start3A_203 = arith.constant 12000 : i32
      %dma_start3A_204 = tpu.memref_slice %arg16[%dma_start3A_203] : memref<32000xf32, #tpu.memory_space<vmem>> -> memref<4000xf32, #tpu.memory_space<vmem>>
      %dma_start3A_205 = tpu.memref_slice %arg7[%add3A_178, %mul3A_170] : memref<128x320000xf32, #tpu.memory_space<hbm>> -> memref<1x4000xf32, #tpu.memory_space<hbm>>
      %dma_start3A_206 = tpu.memref_squeeze %dma_start3A_205 : memref<1x4000xf32, #tpu.memory_space<hbm>> -> memref<4000xf32, #tpu.memory_space<hbm>>
      %dma_start3A_207 = tpu.memref_slice %arg7[%add3A_178, %mul3A_170] : memref<128x320000xf32, #tpu.memory_space<hbm>> -> memref<1x4000xf32, #tpu.memory_space<hbm>>
      %dma_start3A_208 = tpu.memref_squeeze %dma_start3A_207 : memref<1x4000xf32, #tpu.memory_space<hbm>> -> memref<4000xf32, #tpu.memory_space<hbm>>
      %dma_start3A_209 = arith.constant 12000 : i32
      %dma_start3A_210 = tpu.memref_slice %arg16[%dma_start3A_209] : memref<32000xf32, #tpu.memory_space<vmem>> -> memref<4000xf32, #tpu.memory_space<vmem>>
      tpu.enqueue_dma source(%dma_start3A_210 : memref<4000xf32, #tpu.memory_space<vmem>>) target(%dma_start3A_208 : memref<4000xf32, #tpu.memory_space<hbm>>) target_semaphore(%arg19 : memref<!tpu.dma_semaphore, #tpu.memory_space<semaphore_mem>>)
      %mul3A_211 = arith.constant 2 : i32
      %mul3A_212 = arith.muli %scan3A_140, %mul3A_211 : i32
      %add3A_213 = arith.constant 1 : i32
      %add3A_214 = arith.addi %mul3A_212, %add3A_213 : i32
      %mul3A_215 = arith.constant 4000 : i32
      %mul3A_216 = arith.muli %add3A_214, %mul3A_215 : i32
      %dma_wait3A_217 = arith.constant 4000 : i32
      %dma_wait3A_218 = tpu.memref_slice %arg14[%dma_wait3A_217] : memref<8000xi32, #tpu.memory_space<vmem>> -> memref<4000xi32, #tpu.memory_space<vmem>>
      %dma_wait3A_219 = tpu.memref_slice %arg5[%mul3A_216] : memref<320000xi32, #tpu.memory_space<hbm>> -> memref<4000xi32, #tpu.memory_space<hbm>>
      %dma_wait3A_220 = arith.constant 4000 : i32
      %dma_wait3A_221 = tpu.memref_slice %arg14[%dma_wait3A_220] : memref<8000xi32, #tpu.memory_space<vmem>> -> memref<4000xi32, #tpu.memory_space<vmem>>
      %dma_wait3A_222 = tpu.memref_slice %arg5[%mul3A_216] : memref<320000xi32, #tpu.memory_space<hbm>> -> memref<4000xi32, #tpu.memory_space<hbm>>
      tpu.wait_dma2 semaphore(%arg18 : memref<!tpu.dma_semaphore, #tpu.memory_space<semaphore_mem>>) src(%dma_wait3A_222 : memref<4000xi32, #tpu.memory_space<hbm>>) dst(%dma_wait3A_221 : memref<4000xi32, #tpu.memory_space<vmem>>)
      %dma_wait3A_223 = arith.constant 4000 : i32
      %dma_wait3A_224 = tpu.memref_slice %arg15[%dma_wait3A_223] : memref<8000xi32, #tpu.memory_space<vmem>> -> memref<4000xi32, #tpu.memory_space<vmem>>
      %dma_wait3A_225 = tpu.memref_slice %arg6[%mul3A_216] : memref<320000xi32, #tpu.memory_space<hbm>> -> memref<4000xi32, #tpu.memory_space<hbm>>
      %dma_wait3A_226 = arith.constant 4000 : i32
      %dma_wait3A_227 = tpu.memref_slice %arg15[%dma_wait3A_226] : memref<8000xi32, #tpu.memory_space<vmem>> -> memref<4000xi32, #tpu.memory_space<vmem>>
      %dma_wait3A_228 = tpu.memref_slice %arg6[%mul3A_216] : memref<320000xi32, #tpu.memory_space<hbm>> -> memref<4000xi32, #tpu.memory_space<hbm>>
      tpu.wait_dma2 semaphore(%arg18 : memref<!tpu.dma_semaphore, #tpu.memory_space<semaphore_mem>>) src(%dma_wait3A_228 : memref<4000xi32, #tpu.memory_space<hbm>>) dst(%dma_wait3A_227 : memref<4000xi32, #tpu.memory_space<vmem>>)
      %lt3A_229 = arith.constant 79 : i32
      %lt3A_230 = arith.cmpi slt, %add3A_214, %lt3A_229 : i32
      %convert_element_type3A_231 = arith.extui %lt3A_230 : i1 to i32
      %cond3A_232 = arith.constant 0 : i32
      %cond3A_233 = arith.cmpi ne, %convert_element_type3A_231, %cond3A_232 : i32
      scf.if %cond3A_233 {
        %add3A_285 = arith.constant 1 : i32
        %add3A_286 = arith.addi %add3A_214, %add3A_285 : i32
        %mul3A_287 = arith.constant 4000 : i32
        %mul3A_288 = arith.muli %add3A_286, %mul3A_287 : i32
        %dma_start3A_289 = arith.constant 0 : i32
        %dma_start3A_290 = tpu.memref_slice %arg14[%dma_start3A_289] : memref<8000xi32, #tpu.memory_space<vmem>> -> memref<4000xi32, #tpu.memory_space<vmem>>
        %dma_start3A_291 = tpu.memref_slice %arg5[%mul3A_288] : memref<320000xi32, #tpu.memory_space<hbm>> -> memref<4000xi32, #tpu.memory_space<hbm>>
        %dma_start3A_292 = arith.constant 0 : i32
        %dma_start3A_293 = tpu.memref_slice %arg14[%dma_start3A_292] : memref<8000xi32, #tpu.memory_space<vmem>> -> memref<4000xi32, #tpu.memory_space<vmem>>
        %dma_start3A_294 = tpu.memref_slice %arg5[%mul3A_288] : memref<320000xi32, #tpu.memory_space<hbm>> -> memref<4000xi32, #tpu.memory_space<hbm>>
        tpu.enqueue_dma source(%dma_start3A_294 : memref<4000xi32, #tpu.memory_space<hbm>>) target(%dma_start3A_293 : memref<4000xi32, #tpu.memory_space<vmem>>) target_semaphore(%arg17 : memref<!tpu.dma_semaphore, #tpu.memory_space<semaphore_mem>>)
        %dma_start3A_295 = arith.constant 0 : i32
        %dma_start3A_296 = tpu.memref_slice %arg15[%dma_start3A_295] : memref<8000xi32, #tpu.memory_space<vmem>> -> memref<4000xi32, #tpu.memory_space<vmem>>
        %dma_start3A_297 = tpu.memref_slice %arg6[%mul3A_288] : memref<320000xi32, #tpu.memory_space<hbm>> -> memref<4000xi32, #tpu.memory_space<hbm>>
        %dma_start3A_298 = arith.constant 0 : i32
        %dma_start3A_299 = tpu.memref_slice %arg15[%dma_start3A_298] : memref<8000xi32, #tpu.memory_space<vmem>> -> memref<4000xi32, #tpu.memory_space<vmem>>
        %dma_start3A_300 = tpu.memref_slice %arg6[%mul3A_288] : memref<320000xi32, #tpu.memory_space<hbm>> -> memref<4000xi32, #tpu.memory_space<hbm>>
        tpu.enqueue_dma source(%dma_start3A_300 : memref<4000xi32, #tpu.memory_space<hbm>>) target(%dma_start3A_299 : memref<4000xi32, #tpu.memory_space<vmem>>) target_semaphore(%arg17 : memref<!tpu.dma_semaphore, #tpu.memory_space<semaphore_mem>>)
      } else {
      }
      %ge3A_234 = arith.constant 1 : i32
      %ge3A_235 = arith.cmpi sge, %scan3A_140, %ge3A_234 : i32
      %convert_element_type3A_236 = arith.extui %ge3A_235 : i1 to i32
      %cond3A_237 = arith.constant 0 : i32
      %cond3A_238 = arith.cmpi ne, %convert_element_type3A_236, %cond3A_237 : i32
      scf.if %cond3A_238 {
        %sub3A = arith.constant 2 : i32
        %sub3A_285 = arith.subi %add3A_214, %sub3A : i32
        %mul3A_286 = arith.constant 4000 : i32
        %mul3A_287 = arith.muli %sub3A_285, %mul3A_286 : i32
        %add3A_288 = arith.constant 0 : i32
        %add3A_289 = arith.addi %mul3A_2, %add3A_288 : i32
        %add3A_290 = arith.constant 1 : i32
        %add3A_291 = arith.addi %mul3A_2, %add3A_290 : i32
        %add3A_292 = arith.constant 2 : i32
        %add3A_293 = arith.addi %mul3A_2, %add3A_292 : i32
        %add3A_294 = arith.constant 3 : i32
        %add3A_295 = arith.addi %mul3A_2, %add3A_294 : i32
        %dma_wait3A_296 = arith.constant 16000 : i32
        %dma_wait3A_297 = tpu.memref_slice %arg16[%dma_wait3A_296] : memref<32000xf32, #tpu.memory_space<vmem>> -> memref<4000xf32, #tpu.memory_space<vmem>>
        %dma_wait3A_298 = tpu.memref_slice %arg7[%add3A_289, %mul3A_287] : memref<128x320000xf32, #tpu.memory_space<hbm>> -> memref<1x4000xf32, #tpu.memory_space<hbm>>
        %dma_wait3A_299 = tpu.memref_squeeze %dma_wait3A_298 : memref<1x4000xf32, #tpu.memory_space<hbm>> -> memref<4000xf32, #tpu.memory_space<hbm>>
        %dma_wait3A_300 = tpu.memref_slice %arg7[%add3A_289, %mul3A_287] : memref<128x320000xf32, #tpu.memory_space<hbm>> -> memref<1x4000xf32, #tpu.memory_space<hbm>>
        %dma_wait3A_301 = tpu.memref_squeeze %dma_wait3A_300 : memref<1x4000xf32, #tpu.memory_space<hbm>> -> memref<4000xf32, #tpu.memory_space<hbm>>
        %dma_wait3A_302 = arith.constant 16000 : i32
        %dma_wait3A_303 = tpu.memref_slice %arg16[%dma_wait3A_302] : memref<32000xf32, #tpu.memory_space<vmem>> -> memref<4000xf32, #tpu.memory_space<vmem>>
        tpu.wait_dma2 semaphore(%arg20 : memref<!tpu.dma_semaphore, #tpu.memory_space<semaphore_mem>>) src(%dma_wait3A_303 : memref<4000xf32, #tpu.memory_space<vmem>>) dst(%dma_wait3A_301 : memref<4000xf32, #tpu.memory_space<hbm>>)
        %dma_wait3A_304 = arith.constant 20000 : i32
        %dma_wait3A_305 = tpu.memref_slice %arg16[%dma_wait3A_304] : memref<32000xf32, #tpu.memory_space<vmem>> -> memref<4000xf32, #tpu.memory_space<vmem>>
        %dma_wait3A_306 = tpu.memref_slice %arg7[%add3A_291, %mul3A_287] : memref<128x320000xf32, #tpu.memory_space<hbm>> -> memref<1x4000xf32, #tpu.memory_space<hbm>>
        %dma_wait3A_307 = tpu.memref_squeeze %dma_wait3A_306 : memref<1x4000xf32, #tpu.memory_space<hbm>> -> memref<4000xf32, #tpu.memory_space<hbm>>
        %dma_wait3A_308 = tpu.memref_slice %arg7[%add3A_291, %mul3A_287] : memref<128x320000xf32, #tpu.memory_space<hbm>> -> memref<1x4000xf32, #tpu.memory_space<hbm>>
        %dma_wait3A_309 = tpu.memref_squeeze %dma_wait3A_308 : memref<1x4000xf32, #tpu.memory_space<hbm>> -> memref<4000xf32, #tpu.memory_space<hbm>>
        %dma_wait3A_310 = arith.constant 20000 : i32
        %dma_wait3A_311 = tpu.memref_slice %arg16[%dma_wait3A_310] : memref<32000xf32, #tpu.memory_space<vmem>> -> memref<4000xf32, #tpu.memory_space<vmem>>
        tpu.wait_dma2 semaphore(%arg20 : memref<!tpu.dma_semaphore, #tpu.memory_space<semaphore_mem>>) src(%dma_wait3A_311 : memref<4000xf32, #tpu.memory_space<vmem>>) dst(%dma_wait3A_309 : memref<4000xf32, #tpu.memory_space<hbm>>)
        %dma_wait3A_312 = arith.constant 24000 : i32
        %dma_wait3A_313 = tpu.memref_slice %arg16[%dma_wait3A_312] : memref<32000xf32, #tpu.memory_space<vmem>> -> memref<4000xf32, #tpu.memory_space<vmem>>
        %dma_wait3A_314 = tpu.memref_slice %arg7[%add3A_293, %mul3A_287] : memref<128x320000xf32, #tpu.memory_space<hbm>> -> memref<1x4000xf32, #tpu.memory_space<hbm>>
        %dma_wait3A_315 = tpu.memref_squeeze %dma_wait3A_314 : memref<1x4000xf32, #tpu.memory_space<hbm>> -> memref<4000xf32, #tpu.memory_space<hbm>>
        %dma_wait3A_316 = tpu.memref_slice %arg7[%add3A_293, %mul3A_287] : memref<128x320000xf32, #tpu.memory_space<hbm>> -> memref<1x4000xf32, #tpu.memory_space<hbm>>
        %dma_wait3A_317 = tpu.memref_squeeze %dma_wait3A_316 : memref<1x4000xf32, #tpu.memory_space<hbm>> -> memref<4000xf32, #tpu.memory_space<hbm>>
        %dma_wait3A_318 = arith.constant 24000 : i32
        %dma_wait3A_319 = tpu.memref_slice %arg16[%dma_wait3A_318] : memref<32000xf32, #tpu.memory_space<vmem>> -> memref<4000xf32, #tpu.memory_space<vmem>>
        tpu.wait_dma2 semaphore(%arg20 : memref<!tpu.dma_semaphore, #tpu.memory_space<semaphore_mem>>) src(%dma_wait3A_319 : memref<4000xf32, #tpu.memory_space<vmem>>) dst(%dma_wait3A_317 : memref<4000xf32, #tpu.memory_space<hbm>>)
        %dma_wait3A_320 = arith.constant 28000 : i32
        %dma_wait3A_321 = tpu.memref_slice %arg16[%dma_wait3A_320] : memref<32000xf32, #tpu.memory_space<vmem>> -> memref<4000xf32, #tpu.memory_space<vmem>>
        %dma_wait3A_322 = tpu.memref_slice %arg7[%add3A_295, %mul3A_287] : memref<128x320000xf32, #tpu.memory_space<hbm>> -> memref<1x4000xf32, #tpu.memory_space<hbm>>
        %dma_wait3A_323 = tpu.memref_squeeze %dma_wait3A_322 : memref<1x4000xf32, #tpu.memory_space<hbm>> -> memref<4000xf32, #tpu.memory_space<hbm>>
        %dma_wait3A_324 = tpu.memref_slice %arg7[%add3A_295, %mul3A_287] : memref<128x320000xf32, #tpu.memory_space<hbm>> -> memref<1x4000xf32, #tpu.memory_space<hbm>>
        %dma_wait3A_325 = tpu.memref_squeeze %dma_wait3A_324 : memref<1x4000xf32, #tpu.memory_space<hbm>> -> memref<4000xf32, #tpu.memory_space<hbm>>
        %dma_wait3A_326 = arith.constant 28000 : i32
        %dma_wait3A_327 = tpu.memref_slice %arg16[%dma_wait3A_326] : memref<32000xf32, #tpu.memory_space<vmem>> -> memref<4000xf32, #tpu.memory_space<vmem>>
        tpu.wait_dma2 semaphore(%arg20 : memref<!tpu.dma_semaphore, #tpu.memory_space<semaphore_mem>>) src(%dma_wait3A_327 : memref<4000xf32, #tpu.memory_space<vmem>>) dst(%dma_wait3A_325 : memref<4000xf32, #tpu.memory_space<hbm>>)
      } else {
      }
      %parallel_loop3A_239 = arith.constant 0 : i32
      %parallel_loop3A_240 = arith.constant 4000 : i32
      %parallel_loop3A_241 = arith.constant 16 : i32
      scf.for %parallel_loop3A_285 = %parallel_loop3A_239 to %parallel_loop3A_240 step %parallel_loop3A_241  : i32 {
        %parallel_loop3A_286 = arith.constant 4000 : i32
        %parallel_loop3A_287 = arith.addi %parallel_loop3A_286, %parallel_loop3A_285 : i32
        %parallel_loop3A_288 = arith.index_cast %parallel_loop3A_287 : i32 to index
        %parallel_loop3A_289 = tpu.vector_load %arg14[%parallel_loop3A_288] {strides = array<i32>} : memref<8000xi32, #tpu.memory_space<vmem>>, vector<16xi32>,
        %parallel_loop3A_290 = arith.constant 4000 : i32
        %parallel_loop3A_291 = arith.addi %parallel_loop3A_290, %parallel_loop3A_285 : i32
        %parallel_loop3A_292 = arith.index_cast %parallel_loop3A_291 : i32 to index
        %parallel_loop3A_293 = tpu.vector_load %arg15[%parallel_loop3A_292] {strides = array<i32>} : memref<8000xi32, #tpu.memory_space<vmem>>, vector<16xi32>,
        %parallel_loop3A_294 = tpu.vector_load_idx %arg8[%parallel_loop3A_289] : memref<10000xf32, #tpu.memory_space<vmem>>[vector<16xi32>], vector<16xf32>,
        %parallel_loop3A_295 = vector.bitcast %parallel_loop3A_294 : vector<16xf32> to vector<32xbf16>
        %parallel_loop3A_296 = tpu.vector_load_idx %arg8[%parallel_loop3A_293] : memref<10000xf32, #tpu.memory_space<vmem>>[vector<16xi32>], vector<16xf32>,
        %parallel_loop3A_297 = vector.bitcast %parallel_loop3A_296 : vector<16xf32> to vector<32xbf16>
        %parallel_loop3A_298 = tpu.vector_load_idx %arg10[%parallel_loop3A_289] : memref<10000xf32, #tpu.memory_space<vmem>>[vector<16xi32>], vector<16xf32>,
        %parallel_loop3A_299 = vector.bitcast %parallel_loop3A_298 : vector<16xf32> to vector<32xbf16>
        %parallel_loop3A_300 = tpu.vector_load_idx %arg10[%parallel_loop3A_293] : memref<10000xf32, #tpu.memory_space<vmem>>[vector<16xi32>], vector<16xf32>,
        %parallel_loop3A_301 = vector.bitcast %parallel_loop3A_300 : vector<16xf32> to vector<32xbf16>
        %parallel_loop3A_302 = tpu.vector_load_idx %arg12[%parallel_loop3A_289] : memref<10000xf32, #tpu.memory_space<vmem>>[vector<16xi32>], vector<16xf32>,
        %parallel_loop3A_303 = vector.bitcast %parallel_loop3A_302 : vector<16xf32> to vector<32xbf16>
        %parallel_loop3A_304 = tpu.vector_load_idx %arg12[%parallel_loop3A_293] : memref<10000xf32, #tpu.memory_space<vmem>>[vector<16xi32>], vector<16xf32>,
        %parallel_loop3A_305 = vector.bitcast %parallel_loop3A_304 : vector<16xf32> to vector<32xbf16>
        %parallel_loop3A_306 = arith.mulf %parallel_loop3A_295, %parallel_loop3A_301 : vector<32xbf16>
        %parallel_loop3A_307 = arith.mulf %parallel_loop3A_297, %parallel_loop3A_299 : vector<32xbf16>
        %parallel_loop3A_308 = arith.addf %parallel_loop3A_306, %parallel_loop3A_307 : vector<32xbf16>
        %parallel_loop3A_309 = arith.addf %parallel_loop3A_303, %parallel_loop3A_305 : vector<32xbf16>
        %parallel_loop3A_310 = tpu.unpack_subelements %parallel_loop3A_308, 0 {pack_format = #tpu.pack_format<interleaved>} : vector<32xbf16> -> vector<16xf32>
        %parallel_loop3A_311 = tpu.unpack_subelements %parallel_loop3A_308, 1 {pack_format = #tpu.pack_format<interleaved>} : vector<32xbf16> -> vector<16xf32>
        %parallel_loop3A_312 = tpu.unpack_subelements %parallel_loop3A_309, 0 {pack_format = #tpu.pack_format<interleaved>} : vector<32xbf16> -> vector<16xf32>
        %parallel_loop3A_313 = tpu.unpack_subelements %parallel_loop3A_309, 1 {pack_format = #tpu.pack_format<interleaved>} : vector<32xbf16> -> vector<16xf32>
        %parallel_loop3A_314 = arith.divf %parallel_loop3A_310, %parallel_loop3A_312 : vector<16xf32>
        %parallel_loop3A_315 = arith.constant 16000 : i32
        %parallel_loop3A_316 = arith.addi %parallel_loop3A_315, %parallel_loop3A_285 : i32
        %parallel_loop3A_317 = arith.index_cast %parallel_loop3A_316 : i32 to index
        %parallel_loop3A_318 = tpu.vector_load %arg16[%parallel_loop3A_317] {strides = array<i32>} : memref<32000xf32, #tpu.memory_space<vmem>>, vector<16xf32>,
        tpu.vector_store %arg16[%parallel_loop3A_317], %parallel_loop3A_314 {strides = array<i32>} : memref<32000xf32, #tpu.memory_space<vmem>>, vector<16xf32>,
        %parallel_loop3A_319 = arith.divf %parallel_loop3A_311, %parallel_loop3A_313 : vector<16xf32>
        %parallel_loop3A_320 = arith.constant 20000 : i32
        %parallel_loop3A_321 = arith.addi %parallel_loop3A_320, %parallel_loop3A_285 : i32
        %parallel_loop3A_322 = arith.index_cast %parallel_loop3A_321 : i32 to index
        %parallel_loop3A_323 = tpu.vector_load %arg16[%parallel_loop3A_322] {strides = array<i32>} : memref<32000xf32, #tpu.memory_space<vmem>>, vector<16xf32>,
        tpu.vector_store %arg16[%parallel_loop3A_322], %parallel_loop3A_319 {strides = array<i32>} : memref<32000xf32, #tpu.memory_space<vmem>>, vector<16xf32>,
        %parallel_loop3A_324 = tpu.vector_load_idx %arg9[%parallel_loop3A_289] : memref<10000xf32, #tpu.memory_space<vmem>>[vector<16xi32>], vector<16xf32>,
        %parallel_loop3A_325 = vector.bitcast %parallel_loop3A_324 : vector<16xf32> to vector<32xbf16>
        %parallel_loop3A_326 = tpu.vector_load_idx %arg9[%parallel_loop3A_293] : memref<10000xf32, #tpu.memory_space<vmem>>[vector<16xi32>], vector<16xf32>,
        %parallel_loop3A_327 = vector.bitcast %parallel_loop3A_326 : vector<16xf32> to vector<32xbf16>
        %parallel_loop3A_328 = tpu.vector_load_idx %arg11[%parallel_loop3A_289] : memref<10000xf32, #tpu.memory_space<vmem>>[vector<16xi32>], vector<16xf32>,
        %parallel_loop3A_329 = vector.bitcast %parallel_loop3A_328 : vector<16xf32> to vector<32xbf16>
        %parallel_loop3A_330 = tpu.vector_load_idx %arg11[%parallel_loop3A_293] : memref<10000xf32, #tpu.memory_space<vmem>>[vector<16xi32>], vector<16xf32>,
        %parallel_loop3A_331 = vector.bitcast %parallel_loop3A_330 : vector<16xf32> to vector<32xbf16>
        %parallel_loop3A_332 = tpu.vector_load_idx %arg13[%parallel_loop3A_289] : memref<10000xf32, #tpu.memory_space<vmem>>[vector<16xi32>], vector<16xf32>,
        %parallel_loop3A_333 = vector.bitcast %parallel_loop3A_332 : vector<16xf32> to vector<32xbf16>
        %parallel_loop3A_334 = tpu.vector_load_idx %arg13[%parallel_loop3A_293] : memref<10000xf32, #tpu.memory_space<vmem>>[vector<16xi32>], vector<16xf32>,
        %parallel_loop3A_335 = vector.bitcast %parallel_loop3A_334 : vector<16xf32> to vector<32xbf16>
        %parallel_loop3A_336 = arith.mulf %parallel_loop3A_325, %parallel_loop3A_331 : vector<32xbf16>
        %parallel_loop3A_337 = arith.mulf %parallel_loop3A_327, %parallel_loop3A_329 : vector<32xbf16>
        %parallel_loop3A_338 = arith.addf %parallel_loop3A_336, %parallel_loop3A_337 : vector<32xbf16>
        %parallel_loop3A_339 = arith.addf %parallel_loop3A_333, %parallel_loop3A_335 : vector<32xbf16>
        %parallel_loop3A_340 = tpu.unpack_subelements %parallel_loop3A_338, 0 {pack_format = #tpu.pack_format<interleaved>} : vector<32xbf16> -> vector<16xf32>
        %parallel_loop3A_341 = tpu.unpack_subelements %parallel_loop3A_338, 1 {pack_format = #tpu.pack_format<interleaved>} : vector<32xbf16> -> vector<16xf32>
        %parallel_loop3A_342 = tpu.unpack_subelements %parallel_loop3A_339, 0 {pack_format = #tpu.pack_format<interleaved>} : vector<32xbf16> -> vector<16xf32>
        %parallel_loop3A_343 = tpu.unpack_subelements %parallel_loop3A_339, 1 {pack_format = #tpu.pack_format<interleaved>} : vector<32xbf16> -> vector<16xf32>
        %parallel_loop3A_344 = arith.divf %parallel_loop3A_340, %parallel_loop3A_342 : vector<16xf32>
        %parallel_loop3A_345 = arith.constant 24000 : i32
        %parallel_loop3A_346 = arith.addi %parallel_loop3A_345, %parallel_loop3A_285 : i32
        %parallel_loop3A_347 = arith.index_cast %parallel_loop3A_346 : i32 to index
        %parallel_loop3A_348 = tpu.vector_load %arg16[%parallel_loop3A_347] {strides = array<i32>} : memref<32000xf32, #tpu.memory_space<vmem>>, vector<16xf32>,
        tpu.vector_store %arg16[%parallel_loop3A_347], %parallel_loop3A_344 {strides = array<i32>} : memref<32000xf32, #tpu.memory_space<vmem>>, vector<16xf32>,
        %parallel_loop3A_349 = arith.divf %parallel_loop3A_341, %parallel_loop3A_343 : vector<16xf32>
        %parallel_loop3A_350 = arith.constant 28000 : i32
        %parallel_loop3A_351 = arith.addi %parallel_loop3A_350, %parallel_loop3A_285 : i32
        %parallel_loop3A_352 = arith.index_cast %parallel_loop3A_351 : i32 to index
        %parallel_loop3A_353 = tpu.vector_load %arg16[%parallel_loop3A_352] {strides = array<i32>} : memref<32000xf32, #tpu.memory_space<vmem>>, vector<16xf32>,
        tpu.vector_store %arg16[%parallel_loop3A_352], %parallel_loop3A_349 {strides = array<i32>} : memref<32000xf32, #tpu.memory_space<vmem>>, vector<16xf32>,
      } {sc.loop_unroll_factor = 2 : i64, sc.parallel_access}
      %mul3A_242 = arith.constant 4000 : i32
      %mul3A_243 = arith.muli %add3A_214, %mul3A_242 : i32
      %add3A_244 = arith.constant 0 : i32
      %add3A_245 = arith.addi %mul3A_2, %add3A_244 : i32
      %add3A_246 = arith.constant 1 : i32
      %add3A_247 = arith.addi %mul3A_2, %add3A_246 : i32
      %add3A_248 = arith.constant 2 : i32
      %add3A_249 = arith.addi %mul3A_2, %add3A_248 : i32
      %add3A_250 = arith.constant 3 : i32
      %add3A_251 = arith.addi %mul3A_2, %add3A_250 : i32
      %dma_start3A_252 = arith.constant 16000 : i32
      %dma_start3A_253 = tpu.memref_slice %arg16[%dma_start3A_252] : memref<32000xf32, #tpu.memory_space<vmem>> -> memref<4000xf32, #tpu.memory_space<vmem>>
      %dma_start3A_254 = tpu.memref_slice %arg7[%add3A_245, %mul3A_243] : memref<128x320000xf32, #tpu.memory_space<hbm>> -> memref<1x4000xf32, #tpu.memory_space<hbm>>
      %dma_start3A_255 = tpu.memref_squeeze %dma_start3A_254 : memref<1x4000xf32, #tpu.memory_space<hbm>> -> memref<4000xf32, #tpu.memory_space<hbm>>
      %dma_start3A_256 = tpu.memref_slice %arg7[%add3A_245, %mul3A_243] : memref<128x320000xf32, #tpu.memory_space<hbm>> -> memref<1x4000xf32, #tpu.memory_space<hbm>>
      %dma_start3A_257 = tpu.memref_squeeze %dma_start3A_256 : memref<1x4000xf32, #tpu.memory_space<hbm>> -> memref<4000xf32, #tpu.memory_space<hbm>>
      %dma_start3A_258 = arith.constant 16000 : i32
      %dma_start3A_259 = tpu.memref_slice %arg16[%dma_start3A_258] : memref<32000xf32, #tpu.memory_space<vmem>> -> memref<4000xf32, #tpu.memory_space<vmem>>
      tpu.enqueue_dma source(%dma_start3A_259 : memref<4000xf32, #tpu.memory_space<vmem>>) target(%dma_start3A_257 : memref<4000xf32, #tpu.memory_space<hbm>>) target_semaphore(%arg20 : memref<!tpu.dma_semaphore, #tpu.memory_space<semaphore_mem>>)
      %dma_start3A_260 = arith.constant 20000 : i32
      %dma_start3A_261 = tpu.memref_slice %arg16[%dma_start3A_260] : memref<32000xf32, #tpu.memory_space<vmem>> -> memref<4000xf32, #tpu.memory_space<vmem>>
      %dma_start3A_262 = tpu.memref_slice %arg7[%add3A_247, %mul3A_243] : memref<128x320000xf32, #tpu.memory_space<hbm>> -> memref<1x4000xf32, #tpu.memory_space<hbm>>
      %dma_start3A_263 = tpu.memref_squeeze %dma_start3A_262 : memref<1x4000xf32, #tpu.memory_space<hbm>> -> memref<4000xf32, #tpu.memory_space<hbm>>
      %dma_start3A_264 = tpu.memref_slice %arg7[%add3A_247, %mul3A_243] : memref<128x320000xf32, #tpu.memory_space<hbm>> -> memref<1x4000xf32, #tpu.memory_space<hbm>>
      %dma_start3A_265 = tpu.memref_squeeze %dma_start3A_264 : memref<1x4000xf32, #tpu.memory_space<hbm>> -> memref<4000xf32, #tpu.memory_space<hbm>>
      %dma_start3A_266 = arith.constant 20000 : i32
      %dma_start3A_267 = tpu.memref_slice %arg16[%dma_start3A_266] : memref<32000xf32, #tpu.memory_space<vmem>> -> memref<4000xf32, #tpu.memory_space<vmem>>
      tpu.enqueue_dma source(%dma_start3A_267 : memref<4000xf32, #tpu.memory_space<vmem>>) target(%dma_start3A_265 : memref<4000xf32, #tpu.memory_space<hbm>>) target_semaphore(%arg20 : memref<!tpu.dma_semaphore, #tpu.memory_space<semaphore_mem>>)
      %dma_start3A_268 = arith.constant 24000 : i32
      %dma_start3A_269 = tpu.memref_slice %arg16[%dma_start3A_268] : memref<32000xf32, #tpu.memory_space<vmem>> -> memref<4000xf32, #tpu.memory_space<vmem>>
      %dma_start3A_270 = tpu.memref_slice %arg7[%add3A_249, %mul3A_243] : memref<128x320000xf32, #tpu.memory_space<hbm>> -> memref<1x4000xf32, #tpu.memory_space<hbm>>
      %dma_start3A_271 = tpu.memref_squeeze %dma_start3A_270 : memref<1x4000xf32, #tpu.memory_space<hbm>> -> memref<4000xf32, #tpu.memory_space<hbm>>
      %dma_start3A_272 = tpu.memref_slice %arg7[%add3A_249, %mul3A_243] : memref<128x320000xf32, #tpu.memory_space<hbm>> -> memref<1x4000xf32, #tpu.memory_space<hbm>>
      %dma_start3A_273 = tpu.memref_squeeze %dma_start3A_272 : memref<1x4000xf32, #tpu.memory_space<hbm>> -> memref<4000xf32, #tpu.memory_space<hbm>>
      %dma_start3A_274 = arith.constant 24000 : i32
      %dma_start3A_275 = tpu.memref_slice %arg16[%dma_start3A_274] : memref<32000xf32, #tpu.memory_space<vmem>> -> memref<4000xf32, #tpu.memory_space<vmem>>
      tpu.enqueue_dma source(%dma_start3A_275 : memref<4000xf32, #tpu.memory_space<vmem>>) target(%dma_start3A_273 : memref<4000xf32, #tpu.memory_space<hbm>>) target_semaphore(%arg20 : memref<!tpu.dma_semaphore, #tpu.memory_space<semaphore_mem>>)
      %dma_start3A_276 = arith.constant 28000 : i32
      %dma_start3A_277 = tpu.memref_slice %arg16[%dma_start3A_276] : memref<32000xf32, #tpu.memory_space<vmem>> -> memref<4000xf32, #tpu.memory_space<vmem>>
      %dma_start3A_278 = tpu.memref_slice %arg7[%add3A_251, %mul3A_243] : memref<128x320000xf32, #tpu.memory_space<hbm>> -> memref<1x4000xf32, #tpu.memory_space<hbm>>
      %dma_start3A_279 = tpu.memref_squeeze %dma_start3A_278 : memref<1x4000xf32, #tpu.memory_space<hbm>> -> memref<4000xf32, #tpu.memory_space<hbm>>
      %dma_start3A_280 = tpu.memref_slice %arg7[%add3A_251, %mul3A_243] : memref<128x320000xf32, #tpu.memory_space<hbm>> -> memref<1x4000xf32, #tpu.memory_space<hbm>>
      %dma_start3A_281 = tpu.memref_squeeze %dma_start3A_280 : memref<1x4000xf32, #tpu.memory_space<hbm>> -> memref<4000xf32, #tpu.memory_space<hbm>>
      %dma_start3A_282 = arith.constant 28000 : i32
      %dma_start3A_283 = tpu.memref_slice %arg16[%dma_start3A_282] : memref<32000xf32, #tpu.memory_space<vmem>> -> memref<4000xf32, #tpu.memory_space<vmem>>
      tpu.enqueue_dma source(%dma_start3A_283 : memref<4000xf32, #tpu.memory_space<vmem>>) target(%dma_start3A_281 : memref<4000xf32, #tpu.memory_space<hbm>>) target_semaphore(%arg20 : memref<!tpu.dma_semaphore, #tpu.memory_space<semaphore_mem>>)
      %scan3A_284 = arith.constant 0 : i32
      scf.yield %scan3A_284 : i32
    }
    %scan3A_44 = arith.constant 40 : i32
    %add3A_45 = arith.constant 0 : i32
    %add3A_46 = arith.addi %mul3A_2, %add3A_45 : i32
    %add3A_47 = arith.constant 1 : i32
    %add3A_48 = arith.addi %mul3A_2, %add3A_47 : i32
    %add3A_49 = arith.constant 2 : i32
    %add3A_50 = arith.addi %mul3A_2, %add3A_49 : i32
    %add3A_51 = arith.constant 3 : i32
    %add3A_52 = arith.addi %mul3A_2, %add3A_51 : i32
    %dma_wait3A = arith.constant 0 : i32
    %dma_wait3A_53 = tpu.memref_slice %arg16[%dma_wait3A] : memref<32000xf32, #tpu.memory_space<vmem>> -> memref<4000xf32, #tpu.memory_space<vmem>>
    %dma_wait3A_54 = arith.constant 312000 : i32
    %dma_wait3A_55 = tpu.memref_slice %arg7[%add3A_46, %dma_wait3A_54] : memref<128x320000xf32, #tpu.memory_space<hbm>> -> memref<1x4000xf32, #tpu.memory_space<hbm>>
    %dma_wait3A_56 = tpu.memref_squeeze %dma_wait3A_55 : memref<1x4000xf32, #tpu.memory_space<hbm>> -> memref<4000xf32, #tpu.memory_space<hbm>>
    %dma_wait3A_57 = arith.constant 312000 : i32
    %dma_wait3A_58 = tpu.memref_slice %arg7[%add3A_46, %dma_wait3A_57] : memref<128x320000xf32, #tpu.memory_space<hbm>> -> memref<1x4000xf32, #tpu.memory_space<hbm>>
    %dma_wait3A_59 = tpu.memref_squeeze %dma_wait3A_58 : memref<1x4000xf32, #tpu.memory_space<hbm>> -> memref<4000xf32, #tpu.memory_space<hbm>>
    %dma_wait3A_60 = arith.constant 0 : i32
    %dma_wait3A_61 = tpu.memref_slice %arg16[%dma_wait3A_60] : memref<32000xf32, #tpu.memory_space<vmem>> -> memref<4000xf32, #tpu.memory_space<vmem>>
    tpu.wait_dma2 semaphore(%arg19 : memref<!tpu.dma_semaphore, #tpu.memory_space<semaphore_mem>>) src(%dma_wait3A_61 : memref<4000xf32, #tpu.memory_space<vmem>>) dst(%dma_wait3A_59 : memref<4000xf32, #tpu.memory_space<hbm>>)
    %dma_wait3A_62 = arith.constant 4000 : i32
    %dma_wait3A_63 = tpu.memref_slice %arg16[%dma_wait3A_62] : memref<32000xf32, #tpu.memory_space<vmem>> -> memref<4000xf32, #tpu.memory_space<vmem>>
    %dma_wait3A_64 = arith.constant 312000 : i32
    %dma_wait3A_65 = tpu.memref_slice %arg7[%add3A_48, %dma_wait3A_64] : memref<128x320000xf32, #tpu.memory_space<hbm>> -> memref<1x4000xf32, #tpu.memory_space<hbm>>
    %dma_wait3A_66 = tpu.memref_squeeze %dma_wait3A_65 : memref<1x4000xf32, #tpu.memory_space<hbm>> -> memref<4000xf32, #tpu.memory_space<hbm>>
    %dma_wait3A_67 = arith.constant 312000 : i32
    %dma_wait3A_68 = tpu.memref_slice %arg7[%add3A_48, %dma_wait3A_67] : memref<128x320000xf32, #tpu.memory_space<hbm>> -> memref<1x4000xf32, #tpu.memory_space<hbm>>
    %dma_wait3A_69 = tpu.memref_squeeze %dma_wait3A_68 : memref<1x4000xf32, #tpu.memory_space<hbm>> -> memref<4000xf32, #tpu.memory_space<hbm>>
    %dma_wait3A_70 = arith.constant 4000 : i32
    %dma_wait3A_71 = tpu.memref_slice %arg16[%dma_wait3A_70] : memref<32000xf32, #tpu.memory_space<vmem>> -> memref<4000xf32, #tpu.memory_space<vmem>>
    tpu.wait_dma2 semaphore(%arg19 : memref<!tpu.dma_semaphore, #tpu.memory_space<semaphore_mem>>) src(%dma_wait3A_71 : memref<4000xf32, #tpu.memory_space<vmem>>) dst(%dma_wait3A_69 : memref<4000xf32, #tpu.memory_space<hbm>>)
    %dma_wait3A_72 = arith.constant 8000 : i32
    %dma_wait3A_73 = tpu.memref_slice %arg16[%dma_wait3A_72] : memref<32000xf32, #tpu.memory_space<vmem>> -> memref<4000xf32, #tpu.memory_space<vmem>>
    %dma_wait3A_74 = arith.constant 312000 : i32
    %dma_wait3A_75 = tpu.memref_slice %arg7[%add3A_50, %dma_wait3A_74] : memref<128x320000xf32, #tpu.memory_space<hbm>> -> memref<1x4000xf32, #tpu.memory_space<hbm>>
    %dma_wait3A_76 = tpu.memref_squeeze %dma_wait3A_75 : memref<1x4000xf32, #tpu.memory_space<hbm>> -> memref<4000xf32, #tpu.memory_space<hbm>>
    %dma_wait3A_77 = arith.constant 312000 : i32
    %dma_wait3A_78 = tpu.memref_slice %arg7[%add3A_50, %dma_wait3A_77] : memref<128x320000xf32, #tpu.memory_space<hbm>> -> memref<1x4000xf32, #tpu.memory_space<hbm>>
    %dma_wait3A_79 = tpu.memref_squeeze %dma_wait3A_78 : memref<1x4000xf32, #tpu.memory_space<hbm>> -> memref<4000xf32, #tpu.memory_space<hbm>>
    %dma_wait3A_80 = arith.constant 8000 : i32
    %dma_wait3A_81 = tpu.memref_slice %arg16[%dma_wait3A_80] : memref<32000xf32, #tpu.memory_space<vmem>> -> memref<4000xf32, #tpu.memory_space<vmem>>
    tpu.wait_dma2 semaphore(%arg19 : memref<!tpu.dma_semaphore, #tpu.memory_space<semaphore_mem>>) src(%dma_wait3A_81 : memref<4000xf32, #tpu.memory_space<vmem>>) dst(%dma_wait3A_79 : memref<4000xf32, #tpu.memory_space<hbm>>)
    %dma_wait3A_82 = arith.constant 12000 : i32
    %dma_wait3A_83 = tpu.memref_slice %arg16[%dma_wait3A_82] : memref<32000xf32, #tpu.memory_space<vmem>> -> memref<4000xf32, #tpu.memory_space<vmem>>
    %dma_wait3A_84 = arith.constant 312000 : i32
    %dma_wait3A_85 = tpu.memref_slice %arg7[%add3A_52, %dma_wait3A_84] : memref<128x320000xf32, #tpu.memory_space<hbm>> -> memref<1x4000xf32, #tpu.memory_space<hbm>>
    %dma_wait3A_86 = tpu.memref_squeeze %dma_wait3A_85 : memref<1x4000xf32, #tpu.memory_space<hbm>> -> memref<4000xf32, #tpu.memory_space<hbm>>
    %dma_wait3A_87 = arith.constant 312000 : i32
    %dma_wait3A_88 = tpu.memref_slice %arg7[%add3A_52, %dma_wait3A_87] : memref<128x320000xf32, #tpu.memory_space<hbm>> -> memref<1x4000xf32, #tpu.memory_space<hbm>>
    %dma_wait3A_89 = tpu.memref_squeeze %dma_wait3A_88 : memref<1x4000xf32, #tpu.memory_space<hbm>> -> memref<4000xf32, #tpu.memory_space<hbm>>
    %dma_wait3A_90 = arith.constant 12000 : i32
    %dma_wait3A_91 = tpu.memref_slice %arg16[%dma_wait3A_90] : memref<32000xf32, #tpu.memory_space<vmem>> -> memref<4000xf32, #tpu.memory_space<vmem>>
    tpu.wait_dma2 semaphore(%arg19 : memref<!tpu.dma_semaphore, #tpu.memory_space<semaphore_mem>>) src(%dma_wait3A_91 : memref<4000xf32, #tpu.memory_space<vmem>>) dst(%dma_wait3A_89 : memref<4000xf32, #tpu.memory_space<hbm>>)
    %add3A_92 = arith.constant 0 : i32
    %add3A_93 = arith.addi %mul3A_2, %add3A_92 : i32
    %add3A_94 = arith.constant 1 : i32
    %add3A_95 = arith.addi %mul3A_2, %add3A_94 : i32
    %add3A_96 = arith.constant 2 : i32
    %add3A_97 = arith.addi %mul3A_2, %add3A_96 : i32
    %add3A_98 = arith.constant 3 : i32
    %add3A_99 = arith.addi %mul3A_2, %add3A_98 : i32
    %dma_wait3A_100 = arith.constant 16000 : i32
    %dma_wait3A_101 = tpu.memref_slice %arg16[%dma_wait3A_100] : memref<32000xf32, #tpu.memory_space<vmem>> -> memref<4000xf32, #tpu.memory_space<vmem>>
    %dma_wait3A_102 = arith.constant 316000 : i32
    %dma_wait3A_103 = tpu.memref_slice %arg7[%add3A_93, %dma_wait3A_102] : memref<128x320000xf32, #tpu.memory_space<hbm>> -> memref<1x4000xf32, #tpu.memory_space<hbm>>
    %dma_wait3A_104 = tpu.memref_squeeze %dma_wait3A_103 : memref<1x4000xf32, #tpu.memory_space<hbm>> -> memref<4000xf32, #tpu.memory_space<hbm>>
    %dma_wait3A_105 = arith.constant 316000 : i32
    %dma_wait3A_106 = tpu.memref_slice %arg7[%add3A_93, %dma_wait3A_105] : memref<128x320000xf32, #tpu.memory_space<hbm>> -> memref<1x4000xf32, #tpu.memory_space<hbm>>
    %dma_wait3A_107 = tpu.memref_squeeze %dma_wait3A_106 : memref<1x4000xf32, #tpu.memory_space<hbm>> -> memref<4000xf32, #tpu.memory_space<hbm>>
    %dma_wait3A_108 = arith.constant 16000 : i32
    %dma_wait3A_109 = tpu.memref_slice %arg16[%dma_wait3A_108] : memref<32000xf32, #tpu.memory_space<vmem>> -> memref<4000xf32, #tpu.memory_space<vmem>>
    tpu.wait_dma2 semaphore(%arg20 : memref<!tpu.dma_semaphore, #tpu.memory_space<semaphore_mem>>) src(%dma_wait3A_109 : memref<4000xf32, #tpu.memory_space<vmem>>) dst(%dma_wait3A_107 : memref<4000xf32, #tpu.memory_space<hbm>>)
    %dma_wait3A_110 = arith.constant 20000 : i32
    %dma_wait3A_111 = tpu.memref_slice %arg16[%dma_wait3A_110] : memref<32000xf32, #tpu.memory_space<vmem>> -> memref<4000xf32, #tpu.memory_space<vmem>>
    %dma_wait3A_112 = arith.constant 316000 : i32
    %dma_wait3A_113 = tpu.memref_slice %arg7[%add3A_95, %dma_wait3A_112] : memref<128x320000xf32, #tpu.memory_space<hbm>> -> memref<1x4000xf32, #tpu.memory_space<hbm>>
    %dma_wait3A_114 = tpu.memref_squeeze %dma_wait3A_113 : memref<1x4000xf32, #tpu.memory_space<hbm>> -> memref<4000xf32, #tpu.memory_space<hbm>>
    %dma_wait3A_115 = arith.constant 316000 : i32
    %dma_wait3A_116 = tpu.memref_slice %arg7[%add3A_95, %dma_wait3A_115] : memref<128x320000xf32, #tpu.memory_space<hbm>> -> memref<1x4000xf32, #tpu.memory_space<hbm>>
    %dma_wait3A_117 = tpu.memref_squeeze %dma_wait3A_116 : memref<1x4000xf32, #tpu.memory_space<hbm>> -> memref<4000xf32, #tpu.memory_space<hbm>>
    %dma_wait3A_118 = arith.constant 20000 : i32
    %dma_wait3A_119 = tpu.memref_slice %arg16[%dma_wait3A_118] : memref<32000xf32, #tpu.memory_space<vmem>> -> memref<4000xf32, #tpu.memory_space<vmem>>
    tpu.wait_dma2 semaphore(%arg20 : memref<!tpu.dma_semaphore, #tpu.memory_space<semaphore_mem>>) src(%dma_wait3A_119 : memref<4000xf32, #tpu.memory_space<vmem>>) dst(%dma_wait3A_117 : memref<4000xf32, #tpu.memory_space<hbm>>)
    %dma_wait3A_120 = arith.constant 24000 : i32
    %dma_wait3A_121 = tpu.memref_slice %arg16[%dma_wait3A_120] : memref<32000xf32, #tpu.memory_space<vmem>> -> memref<4000xf32, #tpu.memory_space<vmem>>
    %dma_wait3A_122 = arith.constant 316000 : i32
    %dma_wait3A_123 = tpu.memref_slice %arg7[%add3A_97, %dma_wait3A_122] : memref<128x320000xf32, #tpu.memory_space<hbm>> -> memref<1x4000xf32, #tpu.memory_space<hbm>>
    %dma_wait3A_124 = tpu.memref_squeeze %dma_wait3A_123 : memref<1x4000xf32, #tpu.memory_space<hbm>> -> memref<4000xf32, #tpu.memory_space<hbm>>
    %dma_wait3A_125 = arith.constant 316000 : i32
    %dma_wait3A_126 = tpu.memref_slice %arg7[%add3A_97, %dma_wait3A_125] : memref<128x320000xf32, #tpu.memory_space<hbm>> -> memref<1x4000xf32, #tpu.memory_space<hbm>>
    %dma_wait3A_127 = tpu.memref_squeeze %dma_wait3A_126 : memref<1x4000xf32, #tpu.memory_space<hbm>> -> memref<4000xf32, #tpu.memory_space<hbm>>
    %dma_wait3A_128 = arith.constant 24000 : i32
    %dma_wait3A_129 = tpu.memref_slice %arg16[%dma_wait3A_128] : memref<32000xf32, #tpu.memory_space<vmem>> -> memref<4000xf32, #tpu.memory_space<vmem>>
    tpu.wait_dma2 semaphore(%arg20 : memref<!tpu.dma_semaphore, #tpu.memory_space<semaphore_mem>>) src(%dma_wait3A_129 : memref<4000xf32, #tpu.memory_space<vmem>>) dst(%dma_wait3A_127 : memref<4000xf32, #tpu.memory_space<hbm>>)
    %dma_wait3A_130 = arith.constant 28000 : i32
    %dma_wait3A_131 = tpu.memref_slice %arg16[%dma_wait3A_130] : memref<32000xf32, #tpu.memory_space<vmem>> -> memref<4000xf32, #tpu.memory_space<vmem>>
    %dma_wait3A_132 = arith.constant 316000 : i32
    %dma_wait3A_133 = tpu.memref_slice %arg7[%add3A_99, %dma_wait3A_132] : memref<128x320000xf32, #tpu.memory_space<hbm>> -> memref<1x4000xf32, #tpu.memory_space<hbm>>
    %dma_wait3A_134 = tpu.memref_squeeze %dma_wait3A_133 : memref<1x4000xf32, #tpu.memory_space<hbm>> -> memref<4000xf32, #tpu.memory_space<hbm>>
    %dma_wait3A_135 = arith.constant 316000 : i32
    %dma_wait3A_136 = tpu.memref_slice %arg7[%add3A_99, %dma_wait3A_135] : memref<128x320000xf32, #tpu.memory_space<hbm>> -> memref<1x4000xf32, #tpu.memory_space<hbm>>
    %dma_wait3A_137 = tpu.memref_squeeze %dma_wait3A_136 : memref<1x4000xf32, #tpu.memory_space<hbm>> -> memref<4000xf32, #tpu.memory_space<hbm>>
    %dma_wait3A_138 = arith.constant 28000 : i32
    %dma_wait3A_139 = tpu.memref_slice %arg16[%dma_wait3A_138] : memref<32000xf32, #tpu.memory_space<vmem>> -> memref<4000xf32, #tpu.memory_space<vmem>>
    tpu.wait_dma2 semaphore(%arg20 : memref<!tpu.dma_semaphore, #tpu.memory_space<semaphore_mem>>) src(%dma_wait3A_139 : memref<4000xf32, #tpu.memory_space<vmem>>) dst(%dma_wait3A_137 : memref<4000xf32, #tpu.memory_space<hbm>>)
    return
  }
}

</mosaic_0001>

<sc_bundles>
// kernel: kernel.3.cloned.1.call-start
scs
__scs_entry_jumppad:
0x0: {  	(pc) =	sbr.rel $0x88, $3  }
0x1: {  	(tag) =	ssettag $0x0;
	lr =	simm.s32 $0x1  }
0x2: {  	[smem:$0x3F9D] =	sst lr;
	_ =	strace $0xD0000000  }
0x3: {  	_ = 	snop  }
0x4: {  	_ = 	snop  }
0x5: {  	_ = 	snop  }
0x6: {  	_ = 	snop  }
0x7: {  	_ = 	snop  }
__scs_overlays_trampoline_lowered:
0x8: {  	[smem:$0x3FAC] =	sst s0  }
0x9: {  	[smem:$0x3FAD] =	sst s1  }
0xa: {  	[smem:$0x3FAE] =	sst s2  }
0xb: {  	[smem:$0x3FAF] =	sst s3  }
0xc: {  	[smem:$0x3FB0] =	sst s4  }
0xd: {  	[smem:$0x3FB1] =	sst s5  }
0xe: {  	[smem:$0x3FB2] =	sst s6  }
0xf: {  	[smem:$0x3FB3] =	sst s7  }
0x10: {  	[smem:$0x3FB4] =	sst s8  }
0x11: {  	[smem:$0x3FB5] =	sst s9;
	s0 =	simm.s32 @!p0 $0x0  }
0x12: {  	s1 =	sld [smem:$0x3F9B];
	s0 =	simm.s32 @p0 $0x1  }
0x13: {  	[smem:$0x3FB6] =	sst s0;
	s0 =	simm.s32 @!p1 $0x0  }
0x14: {  	s2 =	sld [smem:$0x3F9A];
	s0 =	simm.s32 @p1 $0x1  }
0x15: {  	[smem:$0x3FB7] =	sst s0;
	s0 =	simm.s32 @!p2 $0x0  }
0x16: {  	s3 =	sld [smem:$0x3FDB];
	s0 =	simm.s32 @p2 $0x1  }
0x17: {  	s4 =	simm.s32 $0x1BF5;
	[smem:$0x3FB9] =	sst s0  }
0x18: {  	s0 =	sld [smem:$0x3F9C];
	_ =	swait.ge [sflag:s4], $0x0  }
0x19: {  	s7 =	sld [smem:$0x3F9D]  }
0x1a: {  	s8 =	sadd.s32 $0xFFFFE003, lr  }
0x1b: {  	s9 =	sadd.s32 $0xFFFFFEF7, lr;
	s5 =	simm.s32 $0xFFFFFFFF;
	p2 =	slt.u32 s8, $0xFFFFF086  }
0x1c: {  	p1 =	slt.u32 s9, $0xF7A;
	s5 =	simm.s32 @!p2 $0x0  }
0x1d: {  	s5 =	simm.s32 @p1 $0x1;
	p0 =	seq.s32 s7, s2  }
0x1e: {  	s7 =	smul.u32 @!p0 $0xF7A, s2;
	p2 =	seq.s32 @!p0 s5, $0x0  }
0x1f: {  	s9 =	smul.u32 $0xF7A, s1;
	s8 =	simm.s32 @!p0 $0x1BF5;
	p2 =	por !p2, p0  }
0x20: {  	[sflag:s8] =	ssyncset.s32 @!p0 $0xFFFFF086;
	s6 =	sadd.s32 @!p0 s3, s7;
	s7 =	simm.s32 @!p0 $0x108  }
0x21: {  	s3 =	sadd.s32 s3, s9;
	s6 =	sadd.s32 @!p0 $0x88, s6;
	s7 =	simm.s32 @p2 $0x1082  }
0x22: {  	[simem:s7], [sflag:s8] =	dma.local @!p0 [hbm:s6], $0xF7A  }
0x23: {  	s9 =	sor.u32 $0xD0000000, s2;
	s6 =	simm.s32 $0x108;
	_ =	swait.ge @!p0 [sflag:s8], $0x0  }
0x24: {  	s3 =	sadd.s32 $0x88, s3;
	s6 =	simm.s32 @!p1 $0x1082;
	[sflag:s4] =	ssyncset.s32 $0xFFFFF086  }
0x25: {  	[simem:s6], [sflag:s4] =	dma.local [hbm:s3], $0xF7A  }
0x26: {  	[smem:$0x3F9D] =	sst s1;
	(tag) =	ssettag s2;
	_ =	strace s9  }
0x27: {  	s1 =	sld [smem:$0x3FAD]  }
0x28: {  	s2 =	sld [smem:$0x3FAE]  }
0x29: {  	s4 =	sld [smem:$0x3FB0]  }
0x2a: {  	p0 =	seq.s32 s5, $0x0;
	s5 =	sld [smem:$0x3FB1]  }
0x2b: {  	s6 =	sld [smem:$0x3FB2]  }
0x2c: {  	s7 =	sld [smem:$0x3FB3]  }
0x2d: {  	s3 =	simm.s32 $0x108;
	s8 =	sld [smem:$0x3FB4]  }
0x2e: {  	s3 =	simm.s32 @!p0 $0x1082;
	s9 =	sld [smem:$0x3FB5]  }
0x2f: {  	lr =	sadd.s32 s0, s3;
	s0 =	sld [smem:$0x3FAC]  }
0x30: {  	s3 =	sld [smem:$0x3FAF]  }
0x31: {  	[smem:$0x3FB8] =	sst s10  }
0x32: {  	s10 =	sld [smem:$0x3FB6];
	_ =	sdelay $0x3  }
0x33: {  	p0 =	seq.s32 s10, $0x1;
	s10 =	sld [smem:$0x3FB8];
	_ =	sdelay $0x3  }
0x34: {  	[smem:$0x3FB8] =	sst s10  }
0x35: {  	s10 =	sld [smem:$0x3FB7];
	_ =	sdelay $0x3  }
0x36: {  	p1 =	seq.s32 s10, $0x1;
	s10 =	sld [smem:$0x3FB8];
	_ =	sdelay $0x3  }
0x37: {  	[smem:$0x3FB8] =	sst s10  }
0x38: {  	s10 =	sld [smem:$0x3FB9]  }
0x39: {  	_ = 	snop;
	(pc) =	sbr.ind lr, $3  }
0x3a: {  	_ = 	snop  }
0x3b: {  	_ = 	snop  }
0x3c: {  	p2 =	seq.s32 s10, $0x1;
	s10 =	sld [smem:$0x3FB8]  }
0x3d: {  	_ =	shalt  }
0x3e: {  	_ =	shalt  }
0x3f: {  	_ =	shalt  }
0x40: {  	_ =	shalt  }
0x41: {  	_ =	shalt  }
0x42: {  	_ =	shalt  }
0x43: {  	_ =	shalt  }
0x44: {  	_ =	shalt  }
0x45: {  	_ =	shalt  }
0x46: {  	_ =	shalt  }
0x47: {  	_ =	shalt  }
0x48: {  	_ =	shalt  }
0x49: {  	_ =	shalt  }
0x4a: {  	_ =	shalt  }
0x4b: {  	_ =	shalt  }
0x4c: {  	_ =	shalt  }
0x4d: {  	_ =	shalt  }
0x4e: {  	_ =	shalt  }
0x4f: {  	_ =	shalt  }
0x50: {  	_ =	shalt  }
0x51: {  	_ =	shalt  }
0x52: {  	_ =	shalt  }
0x53: {  	_ =	shalt  }
0x54: {  	_ =	shalt  }
0x55: {  	_ =	shalt  }
0x56: {  	_ =	shalt  }
0x57: {  	_ =	shalt  }
0x58: {  	_ =	shalt  }
0x59: {  	_ =	shalt  }
0x5a: {  	_ =	shalt  }
0x5b: {  	_ =	shalt  }
0x5c: {  	_ =	shalt  }
0x5d: {  	_ =	shalt  }
0x5e: {  	_ =	shalt  }
0x5f: {  	_ =	shalt  }
0x60: {  	_ =	shalt  }
0x61: {  	_ =	shalt  }
0x62: {  	_ =	shalt  }
0x63: {  	_ =	shalt  }
0x64: {  	_ =	shalt  }
0x65: {  	_ =	shalt  }
0x66: {  	_ =	shalt  }
0x67: {  	_ =	shalt  }
0x68: {  	_ =	shalt  }
0x69: {  	_ =	shalt  }
0x6a: {  	_ =	shalt  }
0x6b: {  	_ =	shalt  }
0x6c: {  	_ =	shalt  }
0x6d: {  	_ =	shalt  }
0x6e: {  	_ =	shalt  }
0x6f: {  	_ =	shalt  }
0x70: {  	_ =	shalt  }
0x71: {  	_ =	shalt  }
0x72: {  	_ =	shalt  }
0x73: {  	_ =	shalt  }
0x74: {  	_ =	shalt  }
0x75: {  	_ =	shalt  }
0x76: {  	_ =	shalt  }
0x77: {  	_ =	shalt  }
0x78: {  	_ =	shalt  }
0x79: {  	_ =	shalt  }
0x7a: {  	_ =	shalt  }
0x7b: {  	_ =	shalt  }
0x7c: {  	_ =	shalt  }
0x7d: {  	_ =	shalt  }
0x7e: {  	_ =	shalt  }
0x7f: {  	_ =	shalt  }
0x80: {  	_ =	shalt  }
0x81: {  	_ =	shalt  }
0x82: {  	_ =	shalt  }
0x83: {  	_ =	shalt  }
0x84: {  	_ =	shalt  }
0x85: {  	_ =	shalt  }
0x86: {  	_ =	shalt  }
0x87: {  	_ =	shalt  }
.Lfunc_end0:
.L_simem_size_0:
called_computation_lowered:
.L_overlay_start_0:
0x88: {  	s2 =	sld [smem:$0x3FD9]  }
0x89: {  	s3 =	sld [smem:$0x3FFE];
	_ =	sdelay $0x1  }
0x8a: {  	s1 =	srdreg.scid  }
0x8b: {  	s0 =	sand.u32 $0x1, s1  }
0x8c: {  	s17 =	sshll.u32 s0, $0xA;
	s2 =	sadd.s32 s3, s2  }
0x8d: {  	s2 =	sadd.s32 s2, s17  }
0x8e: {  	[smem:$0x3FC4] =	sst s2  }
0x8f: {  	_ = 	snop  }
0x90: {  	s2 =	sld [smem:$0x3FD0];
	(tm) =	ssettm $0x1  }
0x91: {  	s18 =	sld [smem:$0x3FFB];
	_ =	sdelay $0x3  }
0x92: {  	_ =	strace s18  }
0x93: {  	s3 =	sld [smem:$0x3FFC];
	_ =	sdelay $0x3  }
0x94: {  	_ =	strace s3  }
0x95: {  	s3 =	sld [smem:$0x3FFD];
	_ =	sdelay $0x3  }
0x96: {  	_ =	strace s3  }
0x97: {  	_ =	strace $0x8FFFFFFF  }
0x98: {  	s19 =	sld [smem:$0x3FDB];
	_ =	sdelay $0x1  }
0x99: {  	s4 =	simm.s32 $_scs_section_size  }
0x9a: {  	s5 =	simm.s32 $_size__tile_overlayer_lowered;
	s6 =	simm.s32 $_tile_overlayer_lowered  }
0x9b: {  	s22 =	simm.s32 $0x1BFF;
	s21 =	sshll.u32 s6, $0x1;
	s3 =	sadd.s32 s4, s19  }
0x9c: {  	s7 =	simm.s32 $0x0;
	s20 =	sshll.u32 s5, $0x1;
	s5 =	sadd.s32 s21, s3  }
0x9d: {  	[timem:s7], [sflag:s22] =	dma.local [hbm:s5], s20  }
0x9e: {  	_ =	swait.ge [sflag:s22], s20  }
0x9f: {  	s4 =	ssub.s32 $0x0, s20;
	[sflag:s22] =	ssyncset.done $0x0  }
0xa0: {  	[sflag:s22] =	ssyncadd.s32 s4;
	_ =	sdelay $0x1  }
0xa1: {  	s23 =	simm.s32 $0x1B8B  }
0xa2: {  	_ =	swait.ge [sflag:s23], $0x1  }
0xa3: {  	[sflag:s23] =	ssyncset.done $0x0  }
0xa4: {  	s25 =	simm.s32 $0x1B8E;
	s24 =	sld [smem:$0x3FFE];
	[sflag:s23] =	ssyncadd.s32 $0xFFFFFFFF  }
0xa5: {  	s26 =	simm.s32 $execute0_lowered;
	[smem:$0x3FD2] =	sst s25  }
0xa6: {  	s5 =	sshll.u32 s26, $0x1;
	_ =	strace $0x80000046;
	[dreg:$0x1] =	wrdreg $0xFFFFFFFF  }
0xa7: {  	s28 =	simm.s32 $_size_execute0_lowered;
	s3 =	sadd.s32 s3, s5;
	[dreg:$0x0] =	wrdreg $0x0  }
0xa8: {  	s5 =	sshll.u32 s28, $0x1;
	[dreg:$0x2] =	wrdreg s3  }
0xa9: {  	[dreg:$0x3] =	wrdreg s5  }
0xaa: {  	[dreg:$0x4] =	wrdreg $0xC0  }
0xab: {  	_ =	task [dreg:s7], $0x5FFFF  }
0xac: {  	[dreg:$0x1] =	wrdreg $0xFFFFFFFF  }
0xad: {  	[dreg:$0x0] =	wrdreg $0x60  }
0xae: {  	[dreg:$0x2] =	wrdreg s2  }
0xaf: {  	[dreg:$0x3] =	wrdreg s24  }
0xb0: {  	[dreg:$0x4] =	wrdreg $0x9  }
0xb1: {  	_ =	task.clear_ibuf [dreg:s7], $0x5FFFF;
	_ =	strace $0x90000046  }
0xb2: {  	s29 =	simm.s32 $0x9;
	_ =	strace $0x80000048  }
0xb3: {  	_ =	swait.ge [sflag:s29], $0x1  }
0xb4: {  	[sflag:s29] =	ssyncadd.s32 $0xFFFFFFFF  }
0xb5: {  	_ =	strace $0x90000048  }
0xb6: {  	_ =	sfence  }
0xb7: {  	s30 =	sld [smem:$0x0];
	_ =	sdelay $0x2  }
0xb8: {  	s31 =	sshll.u32 s1, $0xD;
	s1 =	sshrl.u32 s1, $0x2  }
0xb9: {  	s3 =	sand.u32 $0x4000, s31;
	s1 =	sadd.s32 s1, s30  }
0xba: {  	s0 =	sor.u32 s3, s0;
	s1 =	sshll.u32 s1, $0x11  }
0xbb: {  	s0 =	sor.u32 s1, s0  }
0xbc: {  	s0 =	sadd.s32 $0x8F2B, s0  }
0xbd: {  	[sflag:s0] =	ssyncadd.remote.s32 $0x1  }
0xbe: {  	_ =	sfence.sel $0xFFFF  }
0xbf: {  	[dreg:$0x0] =	wrdreg $0xFFFFFFFF;
	(pc) =	sbr.abs _section_cstart, $3  }
0xc0: {  	[dreg:$0x1] =	wrdreg $0xFFFFFFFF  }
0xc1: {  	_ =	task.clear_ibuf [dreg:s7], $0x2FFFF;
	_ =	strace $0x9FFFFFFF  }
0xc2: {  	(tm) =	ssettm $0x7FFFFFFF  }
0xc3: {  	_ =	shalt  }
tec
execute0_lowered:
.L_overlay_start_1:
0x0: {  	(tag) =	ssettag $0x1  }
0x1: {  	s0 =	rddreg [dreg:$0x0]  }
0x2: {  	s1 =	rddreg [dreg:$0x1];
	s2 =	simm.s32 $0x0;
	s3 =	srdreg.scid  }
0x3: {  	s4 =	stileid.u32;
	s29 =	simm.s32 $0x17700;
	s30 =	simm.s32 $0x2710  }
0x4: {  	s31 =	simm.s32 $0x7530;
	s28 =	simm.s32 $0x14820;
	[smem:$0x7FF] =	sst s2  }
0x5: {  	s3 =	sand.u32 $0x1, s3;
	s4 =	sshll.u32 s4, $0x3;
	s6 =	sadd.s32 $0x14A00, s1  }
0x6: {  	s7 =	sadd.s32 $0x3BC00, s1;
	_ =	strace $0x80000047;
	s5 =	sshll.u32 s3, $0x2  }
0x7: {  	s9 =	ssub.s32 $0x2, s3;
	s3 =	sadd.s32 $0xAC00, s1;
	s8 =	sor.u32 s5, s4  }
0x8: {  	s12 =	sshrl.u32 s9, $0x1;
	s4 =	sadd.s32 $0xE00, s1;
	s5 =	sadd.s32 $0x62E00, s1  }
0x9: {  	s1 =	simm.s32 $0x1;
	s10 =	smul.u32 $0x4E2, s8;
	s26 =	ssub.s32 s9, s12  }
0xa: {  	s11 =	sor.u32 $0x1, s8;
	s17 =	sor.u32 $0x2, s8;
	s26 =	smax.u32 s26, $0x1  }
0xb: {  	s14 =	sor.u32 $0x3, s8;
	s15 =	sadd.s32 s0, s10;
	[dreg:$0xf] =	wrdreg s26  }
0xc: {  	s13 =	smul.u32 $0x4E2, s11;
	s18 =	sadd.s32 s7, s10;
	[dreg:$0x3] =	wrdreg s15  }
0xd: {  	s9 =	simm.s32 $0x157C0;
	s10 =	sadd.s32 s6, s10;
	[dreg:$0x5] =	wrdreg s18  }
0xe: {  	s12 =	simm.s32 $0x186A0;
	s16 =	sadd.s32 s0, s13;
	[dreg:$0x7] =	wrdreg s10  }
0xf: {  	s19 =	smul.u32 $0x4E2, s17;
	s15 =	sadd.s32 s7, s13;
	[dreg:$0x4] =	wrdreg s16  }
0x10: {  	s20 =	smul.u32 $0x4E2, s14;
	s13 =	sadd.s32 s6, s13;
	[dreg:$0x6] =	wrdreg s15  }
0x11: {  	s26 =	simm.s32 $0x128E0;
	s21 =	sadd.s32 s0, s19;
	[dreg:$0x8] =	wrdreg s13  }
0x12: {  	s0 =	sadd.s32 s0, s20;
	s22 =	sadd.s32 s7, s19;
	[dreg:$0x9] =	wrdreg s21  }
0x13: {  	s23 =	sadd.s32 s7, s20;
	s24 =	sadd.s32 s6, s19;
	[dreg:$0xa] =	wrdreg s0  }
0x14: {  	s19 =	smul.u32 $0x4E200, s17;
	s25 =	sadd.s32 s6, s20;
	[dreg:$0xb] =	wrdreg s22  }
0x15: {  	s17 =	simm.s32 $0x14FF0;
	s13 =	smul.u32 $0x4E200, s8;
	[dreg:$0xc] =	wrdreg s23  }
0x16: {  	s10 =	simm.s32 $0x2;
	s16 =	smul.u32 $0x4E200, s11;
	[dreg:$0xd] =	wrdreg s24  }
0x17: {  	[dreg:$0xe] =	wrdreg s25;
	s21 =	smul.u32 $0x4E200, s14;
	s23 =	simm.s32 $0x5  }
0x18: {  	s24 =	simm.s32 $0x4E20;
	s25 =	simm.s32 $0x9C40;
	s0 =	simm.s32 $0xC350  }
0x19: {  	s11 =	simm.s32 $0x16760;
	s14 =	simm.s32 $0x19640;
	s8 =	simm.s32 $0x0  }
.LBB2_1:
0x1a: {  	[dreg:$0x10] =	wrdreg s8  }
0x1b: {  	s6 =	rddreg [dreg:$0x3]  }
0x1c: {  	[tilespmem:s2], [sflag:$0x5] =	stream.linear.gather [hbm4b:s6+s2], $0x2710, $0x38;
	[tilespmem:$0x1A5E0] =	vst v63  }
0x1d: {  	_ =	swait.ge [sflag:s23], $0x2710  }
0x1e: {  	[sflag:s23] =	ssyncset.done $0x0  }
0x1f: {  	s8 =	rddreg [dreg:$0x4];
	[sflag:s23] =	ssyncadd.s32 $0xFFFFD8F0  }
0x20: {  	[tilespmem:s24], [sflag:$0x5] =	stream.linear.gather [hbm4b:s8+s2], $0x2710, $0x38;
	[tilespmem:$0x1A5E0] =	vst v63  }
0x21: {  	_ =	swait.ge [sflag:s23], $0x2710  }
0x22: {  	[sflag:s23] =	ssyncset.done $0x0  }
0x23: {  	s15 =	rddreg [dreg:$0x5];
	[sflag:s23] =	ssyncadd.s32 $0xFFFFD8F0  }
0x24: {  	[tilespmem:s25], [sflag:$0x5] =	stream.linear.gather [hbm4b:s15+s2], $0x2710, $0x38;
	[tilespmem:$0x1A5E0] =	vst v63  }
0x25: {  	_ =	swait.ge [sflag:s23], $0x2710  }
0x26: {  	[sflag:s23] =	ssyncset.done $0x0  }
0x27: {  	s18 =	rddreg [dreg:$0x6];
	[sflag:s23] =	ssyncadd.s32 $0xFFFFD8F0  }
0x28: {  	[tilespmem:s26], [sflag:$0x5] =	stream.linear.gather [hbm4b:s18+s2], $0x2710, $0x38;
	[tilespmem:$0x1A5E0] =	vst v63  }
0x29: {  	_ =	swait.ge [sflag:s23], $0x2710  }
0x2a: {  	[sflag:s23] =	ssyncset.done $0x0  }
0x2b: {  	s20 =	rddreg [dreg:$0x7];
	[sflag:s23] =	ssyncadd.s32 $0xFFFFD8F0  }
0x2c: {  	[tilespmem:s17], [sflag:$0x5] =	stream.linear.gather [hbm4b:s20+s2], $0x2710, $0x38;
	[tilespmem:$0x1A5E0] =	vst v63  }
0x2d: {  	_ =	swait.ge [sflag:s23], $0x2710  }
0x2e: {  	[sflag:s23] =	ssyncset.done $0x0  }
0x2f: {  	s22 =	rddreg [dreg:$0x8];
	[sflag:s23] =	ssyncadd.s32 $0xFFFFD8F0  }
0x30: {  	[tilespmem:s29], [sflag:$0x5] =	stream.linear.gather [hbm4b:s22+s2], $0x2710, $0x38;
	[tilespmem:$0x1A5E0] =	vst v63  }
0x31: {  	_ =	swait.ge [sflag:s23], $0x2710  }
0x32: {  	[sflag:s23] =	ssyncset.done $0x0  }
0x33: {  	s6 =	simm.s32 $0x0;
	[sflag:s23] =	ssyncadd.s32 $0xFFFFD8F0  }
0x34: {  	v0 =	vld [tilespmem:s6+$0x9C70];
	_ =	sdelay $0x1  }
0x35: {  	v1 =	vld [tilespmem:s6+$0x12910]  }
0x36: {  	v2 =	vld [tilespmem:s6+$0x9C40]  }
0x37: {  	v3 =	vld [tilespmem:s6+$0x128E0]  }
0x38: {  	v4 =	vld [tilespmem:s6+$0x9C50];
	v0 =	vmul.f32 $1.500000000e+00, v0  }
0x39: {  	v5 =	vld [tilespmem:s6+$0x128F0]  }
0x3a: {  	v6 =	vld [tilespmem:s6+$0x9C60];
	v1 =	vmul.f32 $1.500000000e+00, v1;
	(erf) = vrcp.f32 v0  }
0x3b: {  	v7 =	vld [tilespmem:s6+$0x12900]  }
0x3c: {  	v8 =	vld [tilespmem:s6+$0x0];
	v2 =	vmul.f32 $1.500000000e+00, v2;
	(erf) = vrcp.f32 v1  }
0x3d: {  	v9 =	vld [tilespmem:s6+$0x10];
	v0 =	vmul.f32 $1.500000000e+00, v3  }
0x3e: {  	v3 =	vld [tilespmem:s6+$0x4E20];
	v1 =	vmul.f32 $1.500000000e+00, v4;
	(erf) = vrcp.f32 v2  }
0x3f: {  	v11 =	vld [tilespmem:s6+$0x4E30];
	v2 =	vmul.f32 $1.500000000e+00, v5;
	(erf) = vrcp.f32 v0  }
0x40: {  	v4 =	vld [tilespmem:s6+$0x30];
	v0 =	vmul.f32 $1.500000000e+00, v6;
	(erf) = vrcp.f32 v1  }
0x41: {  	v7 =	vmul.f32 $1.500000000e+00, v7;
	v5 =	vld [tilespmem:s6+$0x4E50];
	(erf) = vrcp.f32 v2  }
0x42: {  	(erf) = vrcp.f32 v0  }
0x43: {  	v1 =	vld [tilespmem:s6+$0x20];
	v0 =	vpack.i.f32.bf16 v3, v8;
	v10 =	vpop (erf);
	(erf) = vrcp.f32 v7  }
0x44: {  	[tilespmem:s6+$0x0] =	vst v0;
	v0 =	vld [tilespmem:s6+$0x4E40]  }
0x45: {  	v12 =	vld [tilespmem:s6+$0x17700];
	v13 =	vpop (erf)  }
0x46: {  	v6 =	vld [tilespmem:s6+$0x14FF0];
	v2 =	vpack.i.f32.bf16 v11, v9;
	v13 =	vmul.f32 v13, v5;
	v5 =	vpack.i.f32.bf16 v5, v4  }
0x47: {  	[tilespmem:s6+$0x10] =	vst v2;
	v2 =	vld [tilespmem:s6+$0x15000];
	v14 =	vpop (erf)  }
0x48: {  	v10 =	vmul.f32 v10, v4;
	v4 =	vld [tilespmem:s6+$0x17710];
	v15 =	vpop (erf)  }
0x49: {  	v14 =	vmul.f32 v14, v8;
	[tilespmem:s6+$0x30] =	vst v5;
	v63 =	vpack.i.f32.bf16 v0, v1;
	v15 =	vmul.f32 v15, v3;
	v3 =	vld [tilespmem:s6+$0x15010];
	v5 =	vpop (erf)  }
0x4a: {  	v8 =	vpack.i.f32.bf16 v13, v10;
	[tilespmem:s6+$0x20] =	vst v63;
	v7 =	vmul.f32 v5, v9;
	v5 =	vld [tilespmem:s6+$0x17720];
	v9 =	vpop (erf)  }
0x4b: {  	s7 =	simm.s32 $0x0;
	s8 =	simm.s32 $0x100;
	[tilespmem:s6+$0x9C70] =	vst v8;
	v8 =	vpack.i.f32.bf16 v12, v6;
	v6 =	vld [tilespmem:s6+$0x15020];
	v10 =	vpack.i.f32.bf16 v15, v14;
	v9 =	vmul.f32 v9, v11;
	v11 =	vpop (erf)  }
.LBB2_2:
0x4c: {  	s15 =	sshra.s32 s8, $0x2;
	[tilespmem:s6+$0x9C40] =	vst v10;
	v1 =	vmul.f32 v11, v1;
	v10 =	vld [tilespmem:s6+$0x17730];
	v11 =	vpop (erf)  }
0x4d: {  	s7 =	sadd.s32 $0x40, s7;
	v12 =	vld [tilespmem:s15+$0x9C70];
	[tilespmem:s6+$0x4E20] =	vst v8;
	v2 =	vpack.i.f32.bf16 v4, v2;
	v4 =	vpack.i.f32.bf16 v9, v7;
	v0 =	vmul.f32 v11, v0  }
0x4e: {  	p0 =	slt.u32 s7, $0x26C0;
	v7 =	vld [tilespmem:s15+$0x12910];
	[tilespmem:s6+$0x9C50] =	vst v4  }
0x4f: {  	v4 =	vld [tilespmem:s15+$0x9C40];
	[tilespmem:s6+$0x4E30] =	vst v2;
	v2 =	vpack.i.f32.bf16 v5, v3;
	v0 =	vpack.i.f32.bf16 v0, v1  }
0x50: {  	v1 =	vld [tilespmem:s15+$0x128E0];
	[tilespmem:s6+$0x9C60] =	vst v0  }
0x51: {  	v0 =	vld [tilespmem:s15+$0x9C50];
	[tilespmem:s6+$0x4E40] =	vst v2;
	v2 =	vpack.i.f32.bf16 v10, v6  }
0x52: {  	v3 =	vld [tilespmem:s15+$0x128F0];
	v5 =	vmul.f32 $1.500000000e+00, v12;
	[tilespmem:s6+$0x4E50] =	vst v2;
	s6 =	smov.u32 s15  }
0x53: {  	v2 =	vld [tilespmem:s6+$0x9C60];
	v6 =	vmul.f32 $1.500000000e+00, v7  }
0x54: {  	v4 =	vmul.f32 $1.500000000e+00, v4;
	v7 =	vld [tilespmem:s6+$0x12900];
	(erf) = vrcp.f32 v5  }
0x55: {  	v5 =	vld [tilespmem:s6+$0x0];
	v1 =	vmul.f32 $1.500000000e+00, v1;
	(erf) = vrcp.f32 v6  }
0x56: {  	v6 =	vld [tilespmem:s6+$0x4E20];
	v0 =	vmul.f32 $1.500000000e+00, v0;
	(erf) = vrcp.f32 v4  }
0x57: {  	v8 =	vld [tilespmem:s6+$0x10];
	v3 =	vmul.f32 $1.500000000e+00, v3;
	(erf) = vrcp.f32 v1  }
0x58: {  	v9 =	vld [tilespmem:s6+$0x4E30];
	v1 =	vmul.f32 $1.500000000e+00, v2;
	(erf) = vrcp.f32 v0  }
0x59: {  	v0 =	vmul.f32 $1.500000000e+00, v7;
	v4 =	vld [tilespmem:s6+$0x30];
	(erf) = vrcp.f32 v3  }
0x5a: {  	v3 =	vld [tilespmem:s6+$0x4E50];
	(erf) = vrcp.f32 v1  }
0x5b: {  	v2 =	vpack.i.f32.bf16 v6, v5;
	v1 =	vld [tilespmem:s6+$0x20];
	(erf) = vrcp.f32 v0  }
0x5c: {  	[tilespmem:s6+$0x0] =	vst v2;
	v0 =	vld [tilespmem:s6+$0x4E40]  }
0x5d: {  	v10 =	vld [tilespmem:s6+$0x14FF0];
	v2 =	vpack.i.f32.bf16 v9, v8;
	v7 =	vpop (erf)  }
0x5e: {  	v11 =	vld [tilespmem:s6+$0x17700];
	[tilespmem:s6+$0x10] =	vst v2;
	v12 =	vpop (erf)  }
.Ltmp0:
0x5f: {  	v7 =	vmul.f32 v7, v4;
	v2 =	vld [tilespmem:s6+$0x15000];
	v13 =	vpack.i.f32.bf16 v3, v4;
	v16 =	vmul.f32 v12, v3;
	v3 =	vpop (erf);
	(pc) =	sbr.rel @p0 .LBB2_2-.Ltmp0, $4  }
0x60: {  	v14 =	vmul.f32 v3, v5;
	v4 =	vld [tilespmem:s6+$0x17710];
	[tilespmem:s6+$0x30] =	vst v13;
	v3 =	vpop (erf)  }
0x61: {  	v6 =	vmul.f32 v3, v6;
	v3 =	vld [tilespmem:s6+$0x15010];
	v13 =	vpack.i.f32.bf16 v0, v1;
	v15 =	vpack.i.f32.bf16 v16, v7;
	v5 =	vpop (erf)  }
0x62: {  	v7 =	vmul.f32 v5, v8;
	v5 =	vld [tilespmem:s6+$0x17720];
	[tilespmem:s6+$0x9C70] =	vst v15;
	v12 =	vpop (erf)  }
0x63: {  	s8 =	sadd.s32 $0x100, s8;
	v8 =	vpack.i.f32.bf16 v11, v10;
	v10 =	vpack.i.f32.bf16 v6, v14;
	v9 =	vmul.f32 v12, v9;
	[tilespmem:s6+$0x20] =	vst v13;
	v6 =	vld [tilespmem:s6+$0x15020];
	v11 =	vpop (erf)  }
0x64: {  	[tilespmem:s6+$0x9C40] =	vst v10;
	v10 =	vld [tilespmem:s6+$0x17730];
	v12 =	vpop (erf)  }
0x65: {  	v1 =	vmul.f32 v11, v1;
	[tilespmem:s6+$0x4E20] =	vst v8;
	v7 =	vpack.i.f32.bf16 v9, v7;
	v0 =	vmul.f32 v12, v0  }
0x66: {  	v2 =	vpack.i.f32.bf16 v4, v2;
	[tilespmem:s6+$0x9C50] =	vst v7  }
0x67: {  	[tilespmem:s6+$0x4E30] =	vst v2;
	v0 =	vpack.i.f32.bf16 v0, v1  }
0x68: {  	v1 =	vpack.i.f32.bf16 v5, v3;
	[tilespmem:s6+$0x9C60] =	vst v0  }
0x69: {  	[tilespmem:s6+$0x4E40] =	vst v1;
	v0 =	vpack.i.f32.bf16 v10, v6  }
0x6a: {  	[tilespmem:s6+$0x4E50] =	vst v0  }
0x6b: {  	v0 =	vld [tilespmem:$0xC340]  }
0x6c: {  	v1 =	vld [tilespmem:$0x14FE0];
	_ =	sdelay $0x3  }
0x6d: {  	v0 =	vmul.f32 $1.500000000e+00, v0  }
0x6e: {  	v1 =	vmul.f32 $1.500000000e+00, v1  }
0x6f: {  	(erf) = vrcp.f32 v0  }
0x70: {  	(erf) = vrcp.f32 v1;
	_ =	sdelay $0x1  }
0x71: {  	v2 =	vld [tilespmem:$0x176F0]  }
0x72: {  	v3 =	vld [tilespmem:$0x19E00]  }
0x73: {  	v0 =	vld [tilespmem:$0x2700]  }
0x74: {  	v1 =	vld [tilespmem:$0x7520];
	_ =	sdelay $0x2  }
0x75: {  	v4 =	vpop (erf)  }
0x76: {  	v2 =	vpack.i.f32.bf16 v3, v2;
	v5 =	vpop (erf)  }
0x77: {  	v6 =	vpack.i.f32.bf16 v1, v0;
	v0 =	vmul.f32 v4, v0;
	v1 =	vmul.f32 v5, v1  }
0x78: {  	[tilespmem:$0x7520] =	vst v2  }
0x79: {  	[tilespmem:$0x2700] =	vst v6;
	v0 =	vpack.i.f32.bf16 v1, v0  }
0x7a: {  	s6 =	simm.s32 $0x0;
	s7 =	rddreg [dreg:$0x9];
	[tilespmem:$0xC340] =	vst v0  }
0x7b: {  	[tilespmem:s30], [sflag:$0x5] =	stream.linear.gather [hbm4b:s7+s6], $0x2710, $0x38;
	[tilespmem:$0x1A5E0] =	vst v63  }
0x7c: {  	_ =	swait.ge [sflag:s23], $0x2710  }
0x7d: {  	[sflag:s23] =	ssyncset.done $0x0  }
0x7e: {  	s8 =	rddreg [dreg:$0xa];
	[sflag:s23] =	ssyncadd.s32 $0xFFFFD8F0  }
0x7f: {  	[tilespmem:s31], [sflag:$0x5] =	stream.linear.gather [hbm4b:s8+s6], $0x2710, $0x38;
	[tilespmem:$0x1A5E0] =	vst v63  }
0x80: {  	_ =	swait.ge [sflag:s23], $0x2710  }
0x81: {  	[sflag:s23] =	ssyncset.done $0x0  }
0x82: {  	s15 =	rddreg [dreg:$0xb];
	[sflag:s23] =	ssyncadd.s32 $0xFFFFD8F0  }
0x83: {  	[tilespmem:s0], [sflag:$0x5] =	stream.linear.gather [hbm4b:s15+s6], $0x2710, $0x38;
	[tilespmem:$0x1A5E0] =	vst v63  }
0x84: {  	_ =	swait.ge [sflag:s23], $0x2710  }
0x85: {  	[sflag:s23] =	ssyncset.done $0x0  }
0x86: {  	s18 =	rddreg [dreg:$0xc];
	[sflag:s23] =	ssyncadd.s32 $0xFFFFD8F0  }
0x87: {  	[tilespmem:s26], [sflag:$0x5] =	stream.linear.gather [hbm4b:s18+s6], $0x2710, $0x38;
	[tilespmem:$0x1A5E0] =	vst v63  }
0x88: {  	_ =	swait.ge [sflag:s23], $0x2710  }
0x89: {  	[sflag:s23] =	ssyncset.done $0x0  }
0x8a: {  	s20 =	rddreg [dreg:$0xd];
	[sflag:s23] =	ssyncadd.s32 $0xFFFFD8F0  }
0x8b: {  	[tilespmem:s17], [sflag:$0x5] =	stream.linear.gather [hbm4b:s20+s6], $0x2710, $0x38;
	[tilespmem:$0x1A5E0] =	vst v63  }
0x8c: {  	_ =	swait.ge [sflag:s23], $0x2710  }
0x8d: {  	[sflag:s23] =	ssyncset.done $0x0  }
0x8e: {  	s22 =	rddreg [dreg:$0xe];
	[sflag:s23] =	ssyncadd.s32 $0xFFFFD8F0  }
0x8f: {  	[tilespmem:s29], [sflag:$0x5] =	stream.linear.gather [hbm4b:s22+s6], $0x2710, $0x38;
	[tilespmem:$0x1A5E0] =	vst v63  }
0x90: {  	_ =	swait.ge [sflag:s23], $0x2710  }
0x91: {  	[sflag:s23] =	ssyncset.done $0x0  }
0x92: {  	s6 =	simm.s32 $0x0;
	[sflag:s23] =	ssyncadd.s32 $0xFFFFD8F0  }
0x93: {  	v0 =	vld [tilespmem:s6+$0xC380];
	_ =	sdelay $0x1  }
0x94: {  	v1 =	vld [tilespmem:s6+$0x12910]  }
0x95: {  	v2 =	vld [tilespmem:s6+$0xC350]  }
0x96: {  	v3 =	vld [tilespmem:s6+$0x128E0]  }
0x97: {  	v4 =	vld [tilespmem:s6+$0xC360];
	v0 =	vmul.f32 $1.500000000e+00, v0  }
0x98: {  	v5 =	vld [tilespmem:s6+$0x128F0]  }
0x99: {  	v6 =	vld [tilespmem:s6+$0xC370];
	v1 =	vmul.f32 $1.500000000e+00, v1;
	(erf) = vrcp.f32 v0  }
0x9a: {  	v7 =	vld [tilespmem:s6+$0x12900]  }
0x9b: {  	v8 =	vld [tilespmem:s6+$0x2710];
	v2 =	vmul.f32 $1.500000000e+00, v2;
	(erf) = vrcp.f32 v1  }
0x9c: {  	v9 =	vld [tilespmem:s6+$0x2720];
	v0 =	vmul.f32 $1.500000000e+00, v3  }
0x9d: {  	v3 =	vld [tilespmem:s6+$0x7530];
	v1 =	vmul.f32 $1.500000000e+00, v4;
	(erf) = vrcp.f32 v2  }
0x9e: {  	v11 =	vld [tilespmem:s6+$0x7540];
	v2 =	vmul.f32 $1.500000000e+00, v5;
	(erf) = vrcp.f32 v0  }
0x9f: {  	v4 =	vld [tilespmem:s6+$0x2740];
	v0 =	vmul.f32 $1.500000000e+00, v6;
	(erf) = vrcp.f32 v1  }
0xa0: {  	v7 =	vmul.f32 $1.500000000e+00, v7;
	v5 =	vld [tilespmem:s6+$0x7560];
	(erf) = vrcp.f32 v2  }
0xa1: {  	(erf) = vrcp.f32 v0  }
0xa2: {  	v1 =	vld [tilespmem:s6+$0x2730];
	v0 =	vpack.i.f32.bf16 v3, v8;
	v10 =	vpop (erf);
	(erf) = vrcp.f32 v7  }
0xa3: {  	[tilespmem:s6+$0x2710] =	vst v0;
	v0 =	vld [tilespmem:s6+$0x7550]  }
0xa4: {  	v62 =	vld [tilespmem:s6+$0x17700];
	v13 =	vpop (erf)  }
0xa5: {  	v6 =	vld [tilespmem:s6+$0x14FF0];
	v2 =	vpack.i.f32.bf16 v11, v9;
	v13 =	vmul.f32 v13, v5;
	v5 =	vpack.i.f32.bf16 v5, v4  }
0xa6: {  	[tilespmem:s6+$0x2720] =	vst v2;
	v2 =	vld [tilespmem:s6+$0x15000];
	v14 =	vpop (erf)  }
0xa7: {  	v10 =	vmul.f32 v10, v4;
	v4 =	vld [tilespmem:s6+$0x17710];
	v15 =	vpop (erf)  }
0xa8: {  	v14 =	vmul.f32 v14, v8;
	[tilespmem:s6+$0x2740] =	vst v5;
	v63 =	vpack.i.f32.bf16 v0, v1;
	v15 =	vmul.f32 v15, v3;
	v3 =	vld [tilespmem:s6+$0x15010];
	v5 =	vpop (erf)  }
0xa9: {  	v8 =	vpack.i.f32.bf16 v13, v10;
	[tilespmem:s6+$0x2730] =	vst v63;
	v7 =	vmul.f32 v5, v9;
	v5 =	vld [tilespmem:s6+$0x17720];
	v9 =	vpop (erf)  }
0xaa: {  	s7 =	simm.s32 $0x0;
	s8 =	simm.s32 $0x100;
	[tilespmem:s6+$0xC380] =	vst v8;
	v8 =	vpack.i.f32.bf16 v62, v6;
	v6 =	vld [tilespmem:s6+$0x15020];
	v10 =	vpack.i.f32.bf16 v15, v14;
	v9 =	vmul.f32 v9, v11;
	v11 =	vpop (erf)  }
.LBB2_4:
0xab: {  	s15 =	sshra.s32 s8, $0x2;
	[tilespmem:s6+$0xC350] =	vst v10;
	v1 =	vmul.f32 v11, v1;
	v10 =	vld [tilespmem:s6+$0x17730];
	v11 =	vpop (erf)  }
0xac: {  	s7 =	sadd.s32 $0x40, s7;
	v12 =	vld [tilespmem:s15+$0xC380];
	[tilespmem:s6+$0x7530] =	vst v8;
	v2 =	vpack.i.f32.bf16 v4, v2;
	v4 =	vpack.i.f32.bf16 v9, v7;
	v0 =	vmul.f32 v11, v0  }
0xad: {  	p0 =	slt.u32 s7, $0x26C0;
	v7 =	vld [tilespmem:s15+$0x12910];
	[tilespmem:s6+$0xC360] =	vst v4  }
0xae: {  	v4 =	vld [tilespmem:s15+$0xC350];
	[tilespmem:s6+$0x7540] =	vst v2;
	v2 =	vpack.i.f32.bf16 v5, v3;
	v0 =	vpack.i.f32.bf16 v0, v1  }
0xaf: {  	v1 =	vld [tilespmem:s15+$0x128E0];
	[tilespmem:s6+$0xC370] =	vst v0  }
0xb0: {  	v0 =	vld [tilespmem:s15+$0xC360];
	[tilespmem:s6+$0x7550] =	vst v2;
	v2 =	vpack.i.f32.bf16 v10, v6  }
0xb1: {  	v3 =	vld [tilespmem:s15+$0x128F0];
	v5 =	vmul.f32 $1.500000000e+00, v12;
	[tilespmem:s6+$0x7560] =	vst v2;
	s6 =	smov.u32 s15  }
0xb2: {  	v2 =	vld [tilespmem:s6+$0xC370];
	v6 =	vmul.f32 $1.500000000e+00, v7  }
0xb3: {  	v4 =	vmul.f32 $1.500000000e+00, v4;
	v7 =	vld [tilespmem:s6+$0x12900];
	(erf) = vrcp.f32 v5  }
0xb4: {  	v5 =	vld [tilespmem:s6+$0x2710];
	v1 =	vmul.f32 $1.500000000e+00, v1;
	(erf) = vrcp.f32 v6  }
0xb5: {  	v6 =	vld [tilespmem:s6+$0x7530];
	v0 =	vmul.f32 $1.500000000e+00, v0;
	(erf) = vrcp.f32 v4  }
0xb6: {  	v8 =	vld [tilespmem:s6+$0x2720];
	v3 =	vmul.f32 $1.500000000e+00, v3;
	(erf) = vrcp.f32 v1  }
0xb7: {  	v9 =	vld [tilespmem:s6+$0x7540];
	v1 =	vmul.f32 $1.500000000e+00, v2;
	(erf) = vrcp.f32 v0  }
0xb8: {  	v0 =	vmul.f32 $1.500000000e+00, v7;
	v4 =	vld [tilespmem:s6+$0x2740];
	(erf) = vrcp.f32 v3  }
0xb9: {  	v3 =	vld [tilespmem:s6+$0x7560];
	(erf) = vrcp.f32 v1  }
0xba: {  	v2 =	vpack.i.f32.bf16 v6, v5;
	v1 =	vld [tilespmem:s6+$0x2730];
	(erf) = vrcp.f32 v0  }
0xbb: {  	[tilespmem:s6+$0x2710] =	vst v2;
	v0 =	vld [tilespmem:s6+$0x7550]  }
0xbc: {  	v10 =	vld [tilespmem:s6+$0x14FF0];
	v2 =	vpack.i.f32.bf16 v9, v8;
	v7 =	vpop (erf)  }
0xbd: {  	v11 =	vld [tilespmem:s6+$0x17700];
	[tilespmem:s6+$0x2720] =	vst v2;
	v12 =	vpop (erf)  }
.Ltmp1:
0xbe: {  	v7 =	vmul.f32 v7, v4;
	v2 =	vld [tilespmem:s6+$0x15000];
	v13 =	vpack.i.f32.bf16 v3, v4;
	v16 =	vmul.f32 v12, v3;
	v3 =	vpop (erf);
	(pc) =	sbr.rel @p0 .LBB2_4-.Ltmp1, $4  }
0xbf: {  	v14 =	vmul.f32 v3, v5;
	v4 =	vld [tilespmem:s6+$0x17710];
	[tilespmem:s6+$0x2740] =	vst v13;
	v3 =	vpop (erf)  }
0xc0: {  	v6 =	vmul.f32 v3, v6;
	v3 =	vld [tilespmem:s6+$0x15010];
	v13 =	vpack.i.f32.bf16 v0, v1;
	v15 =	vpack.i.f32.bf16 v16, v7;
	v5 =	vpop (erf)  }
0xc1: {  	v7 =	vmul.f32 v5, v8;
	v5 =	vld [tilespmem:s6+$0x17720];
	[tilespmem:s6+$0xC380] =	vst v15;
	v12 =	vpop (erf)  }
0xc2: {  	s8 =	sadd.s32 $0x100, s8;
	v8 =	vpack.i.f32.bf16 v11, v10;
	v10 =	vpack.i.f32.bf16 v6, v14;
	v9 =	vmul.f32 v12, v9;
	[tilespmem:s6+$0x2730] =	vst v13;
	v6 =	vld [tilespmem:s6+$0x15020];
	v11 =	vpop (erf)  }
0xc3: {  	[tilespmem:s6+$0xC350] =	vst v10;
	v55 =	vld [tilespmem:s6+$0x17730];
	v12 =	vpop (erf)  }
0xc4: {  	v1 =	vmul.f32 v11, v1;
	[tilespmem:s6+$0x7530] =	vst v8;
	v7 =	vpack.i.f32.bf16 v9, v7;
	v0 =	vmul.f32 v12, v0  }
0xc5: {  	v2 =	vpack.i.f32.bf16 v4, v2;
	[tilespmem:s6+$0xC360] =	vst v7  }
0xc6: {  	[tilespmem:s6+$0x7540] =	vst v2;
	v0 =	vpack.i.f32.bf16 v0, v1  }
0xc7: {  	v56 =	vpack.i.f32.bf16 v5, v3;
	[tilespmem:s6+$0xC370] =	vst v0  }
0xc8: {  	[tilespmem:s6+$0x7550] =	vst v56;
	v57 =	vpack.i.f32.bf16 v55, v6  }
0xc9: {  	[tilespmem:s6+$0x7560] =	vst v57  }
0xca: {  	v0 =	vld [tilespmem:$0xEA50]  }
0xcb: {  	v1 =	vld [tilespmem:$0x14FE0];
	_ =	sdelay $0x3  }
0xcc: {  	v0 =	vmul.f32 $1.500000000e+00, v0  }
0xcd: {  	v1 =	vmul.f32 $1.500000000e+00, v1  }
0xce: {  	(erf) = vrcp.f32 v0  }
0xcf: {  	(erf) = vrcp.f32 v1;
	_ =	sdelay $0x2  }
0xd0: {  	v58 =	vld [tilespmem:$0x4E10]  }
0xd1: {  	v59 =	vld [tilespmem:$0x9C30]  }
0xd2: {  	v2 =	vld [tilespmem:$0x176F0]  }
0xd3: {  	v60 =	vld [tilespmem:$0x19E00];
	_ =	sdelay $0x1  }
0xd4: {  	v61 =	vpop (erf)  }
0xd5: {  	v62 =	vpop (erf)  }
0xd6: {  	v63 =	vpack.i.f32.bf16 v59, v58;
	v0 =	vmul.f32 v61, v58;
	v1 =	vmul.f32 v62, v59  }
0xd7: {  	v2 =	vpack.i.f32.bf16 v60, v2;
	[tilespmem:$0x4E10] =	vst v63  }
0xd8: {  	[tilespmem:$0x9C30] =	vst v2;
	v0 =	vpack.i.f32.bf16 v1, v0  }
0xd9: {  	s20 =	simm.s32 $0x0;
	s18 =	simm.s32 $0xEA60;
	[tilespmem:$0xEA50] =	vst v0  }
0xda: {  	[tilespmem:s18], [sflag:$0x1] =	stream.linear.gather [hbm4b:s3+s20], $0xFA0, $0x38;
	[tilespmem:$0x1A5E0] =	vst v63  }
0xdb: {  	s22 =	simm.s32 $0x109A0  }
0xdc: {  	[tilespmem:s22], [sflag:$0x1] =	stream.linear.gather [hbm4b:s4+s20], $0xFA0, $0x38;
	[tilespmem:$0x1A5E0] =	vst v63  }
.LBB2_6:
0xdd: {  	_ =	swait.ge [sflag:s1], $0xFA0  }
0xde: {  	s22 =	smul.u32 $0x1F40, s20;
	[sflag:s1] =	ssyncset.done $0x0  }
0xdf: {  	[sflag:s1] =	ssyncadd.s32 $0xFFFFF060  }
0xe0: {  	s6 =	sshrl.u32 s22, $0x3;
	_ =	swait.ge [sflag:s1], $0xFA0  }
0xe1: {  	s6 =	sadd.s32 $0x1F4, s6;
	[sflag:s1] =	ssyncset.done $0x0  }
0xe2: {  	s8 =	simm.s32 $0xFA00;
	s7 =	sadd.s32 s3, s6;
	[sflag:s1] =	ssyncadd.s32 $0xFFFFF060  }
0xe3: {  	[tilespmem:s8], [sflag:$0x2] =	stream.linear.gather [hbm4b:s7+s2], $0xFA0, $0x38;
	[tilespmem:$0x1A5E0] =	vst v63  }
0xe4: {  	s18 =	simm.s32 $0x11940;
	p0 =	seq.s32 s20, $0x0;
	s6 =	sadd.s32 s4, s6  }
0xe5: {  	[tilespmem:s18], [sflag:$0x2] =	stream.linear.gather [hbm4b:s6+s2], $0xFA0, $0x38;
	[tilespmem:$0x1A5E0] =	vst v63  }
0xe6: {  	s6 =	simm.s32 @!p0 $0x3  }
0xe7: {  	_ =	swait.ge @!p0 [sflag:s6], $0xFA0  }
0xe8: {  	[sflag:s6] =	ssyncset.done @!p0 $0x0  }
0xe9: {  	[sflag:s6] =	ssyncadd.s32 @!p0 $0xFFFFF060  }
0xea: {  	_ =	swait.ge @!p0 [sflag:s6], $0xFA0  }
0xeb: {  	[sflag:s6] =	ssyncset.done @!p0 $0x0  }
0xec: {  	[sflag:s6] =	ssyncadd.s32 @!p0 $0xFFFFF060  }
0xed: {  	_ =	swait.ge @!p0 [sflag:s6], $0xFA0  }
0xee: {  	[sflag:s6] =	ssyncset.done @!p0 $0x0  }
0xef: {  	[sflag:s6] =	ssyncadd.s32 @!p0 $0xFFFFF060  }
0xf0: {  	_ =	swait.ge @!p0 [sflag:s6], $0xFA0  }
0xf1: {  	[sflag:s6] =	ssyncset.done @!p0 $0x0  }
0xf2: {  	s8 =	simm.s32 $0xEA70;
	[sflag:s6] =	ssyncadd.s32 @!p0 $0xFFFFF060  }
0xf3: {  	s15 =	simm.s32 $0x109B0;
	v6 =	vld [tilespmem:s8+$0x0]  }
0xf4: {  	v7 =	vld [tilespmem:s15+$0x0];
	_ =	sdelay $0x6  }
0xf5: {  	v0 =	vld.idx.msk [tilespmem:v6+s25+$0x0], $0xffff  }
0xf6: {  	v3 =	vld.idx.msk [tilespmem:v7+s25+$0x0], $0xffff  }
0xf7: {  	v2 =	vld [tilespmem:s8+$0xFFFFFFF0]  }
0xf8: {  	v1 =	vld [tilespmem:s15+$0xFFFFFFF0];
	_ =	sdelay $0x2  }
0xf9: {  	v4 =	vld.idx.msk [tilespmem:v6+s2+$0x0], $0xffff;
	v0 =	vadd.bf16 v3, v0  }
0xfa: {  	v9 =	vld.idx.msk [tilespmem:v7+s24+$0x0], $0xffff  }
0xfb: {  	v5 =	vld.idx.msk [tilespmem:v6+s24+$0x0], $0xffff;
	v8 =	vunpack.i.l.bf16.f32 v0  }
0xfc: {  	v3 =	vld.idx.msk [tilespmem:v7+s2+$0x0], $0xffff;
	v0 =	vunpack.i.u.bf16.f32 v0;
	(erf) = vrcp.f32 v8  }
0xfd: {  	v10 =	vld.idx.msk [tilespmem:v2+s25+$0x0], $0xffff;
	(erf) = vrcp.f32 v0  }
0xfe: {  	s18 =	simm.s32 $0x109D0;
	v8 =	vld.idx.msk [tilespmem:v1+s25+$0x0], $0xffff  }
0xff: {  	v0 =	vmul.bf16 v9, v4;
	v4 =	vld [tilespmem:s18+$0x0];
	_ =	sdelay $0x1  }
0x100: {  	v3 =	vmul.bf16 v5, v3;
	_ =	sdelay $0x1  }
0x101: {  	v11 =	vld.idx.msk [tilespmem:v1+s2+$0x0], $0xffff;
	v0 =	vadd.bf16 v0, v3  }
0x102: {  	s17 =	simm.s32 $0xEA90;
	v9 =	vld.idx.msk [tilespmem:v2+s2+$0x0], $0xffff;
	v8 =	vadd.bf16 v8, v10  }
0x103: {  	v3 =	vld [tilespmem:s17+$0x0];
	v12 =	vunpack.i.l.bf16.f32 v0;
	v5 =	vpop (erf)  }
0x104: {  	v14 =	vunpack.i.u.bf16.f32 v0;
	v0 =	vld [tilespmem:s18+$0xFFFFFFF0];
	v15 =	vunpack.i.l.bf16.f32 v8;
	v13 =	vpop (erf);
	v5 =	vmul.f32 v5, v12  }
0x105: {  	s15 =	simm.s32 $0x14820;
	(erf) = vrcp.f32 v15;
	v15 =	vld.idx.msk [tilespmem:v4+s25+$0x0], $0xffff;
	v13 =	vmul.f32 v13, v14  }
0x106: {  	v12 =	vld.idx.msk [tilespmem:v2+s24+$0x0], $0xffff;
	[tilespmem:s15+$0xFFFFE0D0] =	vst v5  }
0x107: {  	v14 =	vld.idx.msk [tilespmem:v1+s24+$0x0], $0xffff;
	[tilespmem:s15+$0xFFFFF070] =	vst v13  }
0x108: {  	v10 =	vld.idx.msk [tilespmem:v6+s0+$0x0], $0xffff  }
0x109: {  	v13 =	vld.idx.msk [tilespmem:v7+s0+$0x0], $0xffff  }
0x10a: {  	v5 =	vld [tilespmem:s17+$0xFFFFFFF0]  }
0x10b: {  	v16 =	vld.idx.msk [tilespmem:v3+s25+$0x0], $0xffff  }
0x10c: {  	v8 =	vunpack.i.u.bf16.f32 v8;
	v19 =	vld.idx.msk [tilespmem:v3+s2+$0x0], $0xffff  }
0x10d: {  	(erf) = vrcp.f32 v8;
	v17 =	vld.idx.msk [tilespmem:v0+s25+$0x0], $0xffff  }
0x10e: {  	v8 =	vld.idx.msk [tilespmem:v6+s30+$0x0], $0xffff;
	v10 =	vadd.bf16 v13, v10  }
0x10f: {  	v18 =	vld.idx.msk [tilespmem:v7+s30+$0x0], $0xffff  }
0x110: {  	v7 =	vld.idx.msk [tilespmem:v7+s31+$0x0], $0xffff;
	v11 =	vmul.bf16 v12, v11;
	v9 =	vmul.bf16 v14, v9;
	v12 =	vunpack.i.u.bf16.f32 v10  }
0x111: {  	v6 =	vld.idx.msk [tilespmem:v6+s31+$0x0], $0xffff;
	v15 =	vadd.bf16 v15, v16;
	v10 =	vunpack.i.l.bf16.f32 v10;
	(erf) = vrcp.f32 v12  }
0x112: {  	v16 =	vld.idx.msk [tilespmem:v4+s24+$0x0], $0xffff;
	(erf) = vrcp.f32 v10  }
0x113: {  	v9 =	vadd.bf16 v9, v11;
	v11 =	vld.idx.msk [tilespmem:v4+s2+$0x0], $0xffff;
	v12 =	vunpack.i.l.bf16.f32 v15  }
0x114: {  	v14 =	vpop (erf);
	v20 =	vld.idx.msk [tilespmem:v5+s25+$0x0], $0xffff;
	v15 =	vunpack.i.u.bf16.f32 v15;
	(erf) = vrcp.f32 v12  }
0x115: {  	v7 =	vmul.bf16 v7, v8;
	v13 =	vunpack.i.l.bf16.f32 v9;
	v10 =	vld.idx.msk [tilespmem:v3+s24+$0x0], $0xffff;
	(erf) = vrcp.f32 v15  }
0x116: {  	v6 =	vmul.bf16 v6, v18;
	v12 =	vmul.f32 v14, v13;
	v13 =	vunpack.i.u.bf16.f32 v9;
	v14 =	vpop (erf);
	v9 =	vld.idx.msk [tilespmem:v5+s2+$0x0], $0xffff  }
0x117: {  	v8 =	vmul.f32 v14, v13;
	v13 =	vld.idx.msk [tilespmem:v0+s2+$0x0], $0xffff  }
0x118: {  	v6 =	vadd.bf16 v7, v6;
	v14 =	vld.idx.msk [tilespmem:v5+s24+$0x0], $0xffff;
	[tilespmem:s15+$0xFFFFE0C0] =	vst v12  }
0x119: {  	v17 =	vadd.bf16 v17, v20;
	v12 =	vld.idx.msk [tilespmem:v0+s24+$0x0], $0xffff;
	[tilespmem:s15+$0xFFFFF060] =	vst v8  }
0x11a: {  	v7 =	vmul.bf16 v16, v19;
	v16 =	vunpack.i.u.bf16.f32 v6;
	v10 =	vmul.bf16 v10, v11;
	v8 =	vld.idx.msk [tilespmem:v2+s0+$0x0], $0xffff;
	v18 =	vpop (erf)  }
0x11b: {  	v11 =	vld.idx.msk [tilespmem:v1+s0+$0x0], $0xffff;
	v19 =	vmul.f32 v18, v16;
	v16 =	vunpack.i.l.bf16.f32 v6;
	v18 =	vpop (erf)  }
0x11c: {  	s7 =	simm.s32 $0x20;
	v15 =	vadd.bf16 v7, v10;
	v7 =	vld.idx.msk [tilespmem:v1+s30+$0x0], $0xffff;
	v10 =	vmul.f32 v18, v16  }
0x11d: {  	s6 =	simm.s32 $0x14820;
	s8 =	simm.s32 $0xEAB0;
	s17 =	sshll.u32 s20, $0x1;
	v6 =	vld.idx.msk [tilespmem:v2+s30+$0x0], $0xffff;
	v16 =	vunpack.i.u.bf16.f32 v17;
	v18 =	vunpack.i.l.bf16.f32 v17;
	v17 =	vpop (erf);
	[tilespmem:s15+$0xFB0] =	vst v19  }
.LBB2_7:
0x11e: {  	v19 =	vld [tilespmem:s8+$0x0];
	v13 =	vmul.bf16 v14, v13;
	v14 =	vunpack.i.l.bf16.f32 v15;
	s18 =	sadd.s32 $0x20, s18;
	(erf) = vrcp.f32 v18;
	v18 =	vpop (erf);
	[tilespmem:s15+$0x10] =	vst v10  }
0x11f: {  	v15 =	vunpack.i.u.bf16.f32 v15;
	v10 =	vld [tilespmem:s18+$0x0];
	v14 =	vmul.f32 v17, v14;
	(erf) = vrcp.f32 v16  }
0x120: {  	v9 =	vmul.bf16 v12, v9;
	s15 =	sadd.s32 $0x20, s15;
	v12 =	vmul.f32 v18, v15;
	v16 =	vld [tilespmem:s18+$0xFFFFFFF0]  }
0x121: {  	v8 =	vadd.bf16 v11, v8;
	v15 =	vld [tilespmem:s8+$0xFFFFFFF0];
	[tilespmem:s15+$0xFFFFE0D0] =	vst v14  }
0x122: {  	s7 =	sadd.s32 $0x20, s7;
	v9 =	vadd.bf16 v9, v13;
	[tilespmem:s15+$0xFFFFF070] =	vst v12;
	v11 =	vld.idx.msk [tilespmem:v2+s31+$0x0], $0xffff;
	v2 =	vmov v5  }
0x123: {  	p1 =	slt.u32 s7, $0xF80;
	v5 =	vunpack.i.u.bf16.f32 v8;
	v8 =	vunpack.i.l.bf16.f32 v8;
	v12 =	vld.idx.msk [tilespmem:v3+s0+$0x0], $0xffff  }
0x124: {  	v13 =	vunpack.i.u.bf16.f32 v9;
	v9 =	vunpack.i.l.bf16.f32 v9;
	v14 =	vld.idx.msk [tilespmem:v4+s0+$0x0], $0xffff;
	(erf) = vrcp.f32 v8  }
0x125: {  	v8 =	vld.idx.msk [tilespmem:v1+s31+$0x0], $0xffff;
	(erf) = vrcp.f32 v5;
	v1 =	vmov v0;
	v0 =	vmov v16  }
0x126: {  	v17 =	vld.idx.msk [tilespmem:v19+s25+$0x0], $0xffff;
	v5 =	vmov v15  }
0x127: {  	v15 =	vld.idx.msk [tilespmem:v10+s25+$0x0], $0xffff;
	v18 =	vpop (erf)  }
0x128: {  	v7 =	vmul.bf16 v11, v7;
	v16 =	vld.idx.msk [tilespmem:v16+s25+$0x0], $0xffff;
	v9 =	vmul.f32 v18, v9;
	v18 =	vpop (erf)  }
0x129: {  	v11 =	vmul.f32 v18, v13;
	v13 =	vld.idx.msk [tilespmem:v3+s30+$0x0], $0xffff  }
0x12a: {  	[tilespmem:s15+$0xFFFFE0C0] =	vst v9;
	v18 =	vld.idx.msk [tilespmem:v4+s30+$0x0], $0xffff;
	v9 =	vadd.bf16 v14, v12  }
0x12b: {  	v6 =	vmul.bf16 v8, v6;
	[tilespmem:s15+$0xFFFFF060] =	vst v11;
	v11 =	vld.idx.msk [tilespmem:v3+s31+$0x0], $0xffff;
	v3 =	vmov v19  }
0x12c: {  	v8 =	vld.idx.msk [tilespmem:v4+s31+$0x0], $0xffff;
	v12 =	vunpack.i.u.bf16.f32 v9;
	v21 =	vunpack.i.l.bf16.f32 v9;
	v4 =	vmov v10  }
0x12d: {  	v14 =	vadd.bf16 v15, v17;
	v6 =	vadd.bf16 v6, v7;
	v20 =	vld.idx.msk [tilespmem:v19+s2+$0x0], $0xffff;
	(erf) = vrcp.f32 v12;
	v7 =	vpop (erf)  }
0x12e: {  	v15 =	vld.idx.msk [tilespmem:v10+s2+$0x0], $0xffff;
	(erf) = vrcp.f32 v21;
	v9 =	vpop (erf)  }
0x12f: {  	v12 =	vunpack.i.l.bf16.f32 v14;
	v17 =	vld.idx.msk [tilespmem:v19+s24+$0x0], $0xffff;
	v19 =	vunpack.i.u.bf16.f32 v6;
	v6 =	vunpack.i.l.bf16.f32 v6  }
0x130: {  	v14 =	vunpack.i.u.bf16.f32 v14;
	v10 =	vld.idx.msk [tilespmem:v10+s24+$0x0], $0xffff;
	(erf) = vrcp.f32 v12;
	v6 =	vmul.f32 v7, v6  }
0x131: {  	v12 =	vmul.f32 v9, v19;
	v7 =	vld.idx.msk [tilespmem:v5+s25+$0x0], $0xffff;
	(erf) = vrcp.f32 v14  }
0x132: {  	v11 =	vmul.bf16 v11, v18;
	v8 =	vmul.bf16 v8, v13;
	v9 =	vld.idx.msk [tilespmem:v5+s2+$0x0], $0xffff;
	[tilespmem:s6+$0x0] =	vst v6  }
0x133: {  	v13 =	vld.idx.msk [tilespmem:v0+s2+$0x0], $0xffff;
	[tilespmem:s6+$0xFA0] =	vst v12;
	s6 =	smov.u32 s15  }
0x134: {  	v6 =	vadd.bf16 v8, v11;
	v14 =	vld.idx.msk [tilespmem:v5+s24+$0x0], $0xffff  }
.Ltmp2:
0x135: {  	v12 =	vld.idx.msk [tilespmem:v0+s24+$0x0], $0xffff;
	(pc) =	sbr.rel @p1 .LBB2_7-.Ltmp2, $4  }
0x136: {  	v15 =	vmul.bf16 v17, v15;
	v10 =	vmul.bf16 v10, v20;
	v20 =	vunpack.i.u.bf16.f32 v6;
	v8 =	vld.idx.msk [tilespmem:v2+s0+$0x0], $0xffff;
	v18 =	vpop (erf)  }
0x137: {  	v7 =	vadd.bf16 v16, v7;
	v16 =	vunpack.i.l.bf16.f32 v6;
	v11 =	vld.idx.msk [tilespmem:v1+s0+$0x0], $0xffff;
	v19 =	vmul.f32 v18, v20;
	v17 =	vpop (erf)  }
0x138: {  	v15 =	vadd.bf16 v10, v15;
	v6 =	vld.idx.msk [tilespmem:v2+s30+$0x0], $0xffff;
	v10 =	vmul.f32 v17, v16  }
0x139: {  	s8 =	sadd.s32 $0x20, s8;
	v16 =	vunpack.i.u.bf16.f32 v7;
	v18 =	vunpack.i.l.bf16.f32 v7;
	v17 =	vpop (erf);
	v7 =	vld.idx.msk [tilespmem:v1+s30+$0x0], $0xffff;
	[tilespmem:s15+$0xFB0] =	vst v19  }
0x13a: {  	(erf) = vrcp.f32 v18  }
0x13b: {  	(erf) = vrcp.f32 v16;
	_ =	sdelay $0x2  }
0x13c: {  	v13 =	vmul.bf16 v14, v13;
	v9 =	vmul.bf16 v12, v9  }
0x13d: {  	v12 =	vunpack.i.l.bf16.f32 v15;
	v14 =	vpop (erf);
	v15 =	vunpack.i.u.bf16.f32 v15  }
0x13e: {  	v12 =	vmul.f32 v17, v12;
	v9 =	vadd.bf16 v9, v13;
	v13 =	vmul.f32 v14, v15  }
0x13f: {  	s7 =	sadd.s32 $0x20, s15  }
0x140: {  	[tilespmem:s7+$0xFFFFE0D0] =	vst v12  }
0x141: {  	v2 =	vld.idx.msk [tilespmem:v2+s31+$0x0], $0xffff;
	v12 =	vunpack.i.l.bf16.f32 v9;
	[tilespmem:s7+$0xFFFFF070] =	vst v13;
	v14 =	vpop (erf)  }
0x142: {  	v9 =	vunpack.i.u.bf16.f32 v9;
	v12 =	vmul.f32 v14, v12;
	v13 =	vpop (erf);
	v14 =	vld.idx.msk [tilespmem:v3+s0+$0x0], $0xffff  }
0x143: {  	v9 =	vmul.f32 v13, v9;
	v13 =	vld.idx.msk [tilespmem:v4+s0+$0x0], $0xffff  }
0x144: {  	v1 =	vld.idx.msk [tilespmem:v1+s31+$0x0], $0xffff;
	[tilespmem:s7+$0xFFFFE0C0] =	vst v12  }
0x145: {  	v8 =	vadd.bf16 v11, v8;
	v11 =	vld.idx.msk [tilespmem:v3+s30+$0x0], $0xffff;
	[tilespmem:s7+$0xFFFFF060] =	vst v9  }
0x146: {  	v9 =	vld.idx.msk [tilespmem:v5+s0+$0x0], $0xffff  }
0x147: {  	v12 =	vld.idx.msk [tilespmem:v0+s0+$0x0], $0xffff  }
0x148: {  	v16 =	vunpack.i.l.bf16.f32 v8;
	v15 =	vld.idx.msk [tilespmem:v4+s30+$0x0], $0xffff;
	v13 =	vadd.bf16 v13, v14  }
0x149: {  	v8 =	vunpack.i.u.bf16.f32 v8;
	(erf) = vrcp.f32 v16;
	v3 =	vld.idx.msk [tilespmem:v3+s31+$0x0], $0xffff  }
0x14a: {  	(erf) = vrcp.f32 v8;
	v4 =	vld.idx.msk [tilespmem:v4+s31+$0x0], $0xffff;
	v8 =	vunpack.i.u.bf16.f32 v13  }
0x14b: {  	v14 =	vld.idx.msk [tilespmem:v5+s30+$0x0], $0xffff;
	(erf) = vrcp.f32 v8  }
0x14c: {  	v5 =	vld.idx.msk [tilespmem:v5+s31+$0x0], $0xffff;
	v9 =	vadd.bf16 v12, v9  }
0x14d: {  	v2 =	vmul.bf16 v2, v7;
	v12 =	vunpack.i.l.bf16.f32 v13;
	v8 =	vld.idx.msk [tilespmem:v0+s30+$0x0], $0xffff  }
0x14e: {  	v1 =	vmul.bf16 v1, v6;
	v0 =	vld.idx.msk [tilespmem:v0+s31+$0x0], $0xffff;
	(erf) = vrcp.f32 v12;
	v7 =	vunpack.i.l.bf16.f32 v9  }
0x14f: {  	v3 =	vmul.bf16 v3, v15;
	v6 =	vunpack.i.u.bf16.f32 v9;
	(erf) = vrcp.f32 v7  }
0x150: {  	v1 =	vadd.bf16 v1, v2;
	v2 =	vmul.bf16 v4, v11;
	(erf) = vrcp.f32 v6;
	_ =	sdelay $0x1  }
0x151: {  	v4 =	vunpack.i.l.bf16.f32 v1;
	v2 =	vadd.bf16 v2, v3;
	v6 =	vpop (erf);
	v3 =	vmul.bf16 v5, v8  }
0x152: {  	v1 =	vunpack.i.u.bf16.f32 v1;
	v0 =	vmul.bf16 v0, v14;
	v5 =	vpop (erf);
	v4 =	vmul.f32 v6, v4  }
0x153: {  	v1 =	vmul.f32 v5, v1;
	v5 =	vunpack.i.u.bf16.f32 v2;
	v6 =	vpop (erf)  }
0x154: {  	v0 =	vadd.bf16 v0, v3;
	v2 =	vunpack.i.l.bf16.f32 v2;
	v3 =	vmul.f32 v6, v5  }
0x155: {  	[tilespmem:s15+$0x10] =	vst v10  }
0x156: {  	[tilespmem:s6+$0x0] =	vst v4;
	v4 =	vpop (erf)  }
0x157: {  	[tilespmem:s6+$0xFA0] =	vst v1;
	v1 =	vmul.f32 v4, v2;
	v4 =	vunpack.i.l.bf16.f32 v0;
	v2 =	vpop (erf)  }
0x158: {  	v0 =	vunpack.i.u.bf16.f32 v0;
	[tilespmem:s7+$0xFB0] =	vst v3;
	v2 =	vmul.f32 v2, v4;
	v3 =	vpop (erf)  }
0x159: {  	s8 =	sadd.s32 s13, s22;
	[tilespmem:s7+$0x10] =	vst v1;
	v0 =	vmul.f32 v3, v0  }
0x15a: {  	s6 =	sshrl.u32 s8, $0x3;
	[tilespmem:s7+$0x0] =	vst v2  }
0x15b: {  	s15 =	sadd.s32 s16, s22;
	s6 =	sadd.s32 s5, s6;
	[tilespmem:s7+$0xFA0] =	vst v0  }
0x15c: {  	[hbm4b:s6+s2] =	stream.linear.scatter [tilespmem:s26], [sflag:$0x3], $0xFA0, $0x38;
	[tilespmem:$0x1A5E0] =	vst v63  }
0x15d: {  	s6 =	sshrl.u32 s15, $0x3  }
0x15e: {  	s18 =	simm.s32 $0x13880;
	s8 =	sadd.s32 s19, s22;
	s6 =	sadd.s32 s5, s6  }
0x15f: {  	[hbm4b:s6+s2] =	stream.linear.scatter [tilespmem:s18], [sflag:$0x3], $0xFA0, $0x38;
	[tilespmem:$0x1A5E0] =	vst v63  }
0x160: {  	s6 =	sshrl.u32 s8, $0x3  }
0x161: {  	s15 =	sadd.s32 s21, s22;
	s6 =	sadd.s32 s5, s6  }
0x162: {  	[hbm4b:s6+s2] =	stream.linear.scatter [tilespmem:s28], [sflag:$0x3], $0xFA0, $0x38;
	[tilespmem:$0x1A5E0] =	vst v63  }
0x163: {  	s6 =	sshrl.u32 s15, $0x3  }
0x164: {  	s6 =	sadd.s32 s5, s6  }
0x165: {  	[hbm4b:s6+s2] =	stream.linear.scatter [tilespmem:s9], [sflag:$0x3], $0xFA0, $0x38;
	[tilespmem:$0x1A5E0] =	vst v63  }
0x166: {  	_ =	swait.ge [sflag:s10], $0xFA0  }
0x167: {  	s18 =	sor.u32 $0x1, s17;
	[sflag:s10] =	ssyncset.done $0x0  }
0x168: {  	p1 =	sgt.u32 s18, $0x4E;
	[sflag:s10] =	ssyncadd.s32 $0xFFFFF060  }
0x169: {  	s7 =	sshrl.u32 @!p1 s22, $0x3;
	_ =	swait.ge [sflag:s10], $0xFA0  }
0x16a: {  	s15 =	simm.s32 @!p1 $0x0;
	s7 =	sadd.s32 @!p1 $0x3E8, s7;
	[sflag:s10] =	ssyncset.done $0x0  }
0x16b: {  	s17 =	simm.s32 @!p1 $0xEA60;
	s8 =	sadd.s32 @!p1 s3, s7;
	[sflag:s10] =	ssyncadd.s32 $0xFFFFF060  }
0x16c: {  	[tilespmem:s17], [sflag:$0x1] =	stream.linear.gather @!p1 [hbm4b:s8+s15], $0xFA0, $0x38;
	[tilespmem:$0x1A5E0] =	vst v63  }
0x16d: {  	s7 =	sadd.s32 @!p1 s4, s7;
	s8 =	simm.s32 @!p1 $0x109A0  }
0x16e: {  	[tilespmem:s8], [sflag:$0x1] =	stream.linear.gather @!p1 [hbm4b:s7+s15], $0xFA0, $0x38;
	[tilespmem:$0x1A5E0] =	vst v63  }
0x16f: {  	s7 =	simm.s32 @!p0 $0x4  }
0x170: {  	_ =	swait.ge @!p0 [sflag:s7], $0xFA0  }
0x171: {  	[sflag:s7] =	ssyncset.done @!p0 $0x0  }
0x172: {  	[sflag:s7] =	ssyncadd.s32 @!p0 $0xFFFFF060  }
0x173: {  	_ =	swait.ge @!p0 [sflag:s7], $0xFA0  }
0x174: {  	[sflag:s7] =	ssyncset.done @!p0 $0x0  }
0x175: {  	[sflag:s7] =	ssyncadd.s32 @!p0 $0xFFFFF060  }
0x176: {  	_ =	swait.ge @!p0 [sflag:s7], $0xFA0  }
0x177: {  	[sflag:s7] =	ssyncset.done @!p0 $0x0  }
0x178: {  	[sflag:s7] =	ssyncadd.s32 @!p0 $0xFFFFF060  }
0x179: {  	_ =	swait.ge @!p0 [sflag:s7], $0xFA0  }
0x17a: {  	[sflag:s7] =	ssyncset.done @!p0 $0x0  }
0x17b: {  	s22 =	simm.s32 $0x0;
	[sflag:s7] =	ssyncadd.s32 @!p0 $0xFFFFF060  }
0x17c: {  	v6 =	vld [tilespmem:s22+$0xFA10]  }
0x17d: {  	v7 =	vld [tilespmem:s22+$0x11950];
	_ =	sdelay $0x6  }
0x17e: {  	v1 =	vld.idx.msk [tilespmem:v6+s25+$0x0], $0xffff  }
0x17f: {  	v3 =	vld.idx.msk [tilespmem:v7+s25+$0x0], $0xffff;
	_ =	sdelay $0x2  }
0x180: {  	v2 =	vld [tilespmem:s22+$0xFA00]  }
0x181: {  	v0 =	vld [tilespmem:s22+$0x11940]  }
0x182: {  	v4 =	vld.idx.msk [tilespmem:v6+s2+$0x0], $0xffff;
	v1 =	vadd.bf16 v3, v1  }
0x183: {  	v5 =	vld.idx.msk [tilespmem:v6+s24+$0x0], $0xffff  }
0x184: {  	v9 =	vld.idx.msk [tilespmem:v7+s24+$0x0], $0xffff;
	v8 =	vunpack.i.l.bf16.f32 v1  }
0x185: {  	v3 =	vld.idx.msk [tilespmem:v7+s2+$0x0], $0xffff;
	v1 =	vunpack.i.u.bf16.f32 v1;
	(erf) = vrcp.f32 v8  }
0x186: {  	(erf) = vrcp.f32 v1;
	_ =	sdelay $0x3  }
0x187: {  	v1 =	vmul.bf16 v9, v4;
	v3 =	vmul.bf16 v5, v3  }
0x188: {  	v10 =	vld.idx.msk [tilespmem:v0+s25+$0x0], $0xffff  }
0x189: {  	v11 =	vld.idx.msk [tilespmem:v0+s2+$0x0], $0xffff;
	v1 =	vadd.bf16 v1, v3  }
0x18a: {  	v8 =	vld.idx.msk [tilespmem:v2+s25+$0x0], $0xffff  }
0x18b: {  	s15 =	simm.s32 $0x20;
	v14 =	vld.idx.msk [tilespmem:v2+s24+$0x0], $0xffff;
	v12 =	vunpack.i.l.bf16.f32 v1;
	v5 =	vpop (erf)  }
0x18c: {  	v3 =	vld [tilespmem:s15+$0xFA10];
	v1 =	vunpack.i.u.bf16.f32 v1;
	v13 =	vpop (erf);
	v12 =	vmul.f32 v5, v12  }
0x18d: {  	v4 =	vld [tilespmem:s15+$0x11950];
	v13 =	vmul.f32 v13, v1  }
0x18e: {  	v15 =	vld.idx.msk [tilespmem:v0+s24+$0x0], $0xffff;
	[tilespmem:s22+$0x16770] =	vst v12  }
0x18f: {  	v9 =	vld.idx.msk [tilespmem:v2+s2+$0x0], $0xffff;
	v8 =	vadd.bf16 v10, v8;
	[tilespmem:s22+$0x17710] =	vst v13  }
0x190: {  	v10 =	vld.idx.msk [tilespmem:v6+s0+$0x0], $0xffff  }
0x191: {  	v13 =	vunpack.i.l.bf16.f32 v8;
	v12 =	vld.idx.msk [tilespmem:v7+s0+$0x0], $0xffff  }
0x192: {  	v5 =	vld [tilespmem:s15+$0xFA00];
	v8 =	vunpack.i.u.bf16.f32 v8;
	(erf) = vrcp.f32 v13  }
0x193: {  	v1 =	vld [tilespmem:s15+$0x11940];
	(erf) = vrcp.f32 v8  }
0x194: {  	v16 =	vld.idx.msk [tilespmem:v3+s25+$0x0], $0xffff  }
0x195: {  	v13 =	vld.idx.msk [tilespmem:v4+s25+$0x0], $0xffff  }
0x196: {  	v19 =	vld.idx.msk [tilespmem:v4+s2+$0x0], $0xffff;
	v10 =	vadd.bf16 v12, v10  }
0x197: {  	v11 =	vmul.bf16 v14, v11;
	v9 =	vmul.bf16 v15, v9;
	v18 =	vld.idx.msk [tilespmem:v7+s30+$0x0], $0xffff  }
0x198: {  	v12 =	vld.idx.msk [tilespmem:v7+s31+$0x0], $0xffff;
	v7 =	vunpack.i.u.bf16.f32 v10;
	v10 =	vunpack.i.l.bf16.f32 v10  }
0x199: {  	v15 =	vld.idx.msk [tilespmem:v3+s2+$0x0], $0xffff;
	(erf) = vrcp.f32 v7;
	v7 =	vadd.bf16 v9, v11  }
0x19a: {  	v8 =	vld.idx.msk [tilespmem:v6+s30+$0x0], $0xffff;
	v13 =	vadd.bf16 v13, v16  }
0x19b: {  	v6 =	vld.idx.msk [tilespmem:v6+s31+$0x0], $0xffff;
	(erf) = vrcp.f32 v10;
	v10 =	vpop (erf);
	v14 =	vunpack.i.u.bf16.f32 v7;
	v7 =	vunpack.i.l.bf16.f32 v7  }
0x19c: {  	v17 =	vld.idx.msk [tilespmem:v5+s25+$0x0], $0xffff;
	v20 =	vpop (erf);
	v10 =	vmul.f32 v10, v7  }
0x19d: {  	v16 =	vld.idx.msk [tilespmem:v1+s25+$0x0], $0xffff;
	v20 =	vmul.f32 v20, v14;
	v14 =	vunpack.i.l.bf16.f32 v13  }
0x19e: {  	v9 =	vld.idx.msk [tilespmem:v3+s24+$0x0], $0xffff;
	[tilespmem:s22+$0x16760] =	vst v10;
	v10 =	vunpack.i.u.bf16.f32 v13;
	(erf) = vrcp.f32 v14  }
0x19f: {  	v11 =	vld.idx.msk [tilespmem:v4+s24+$0x0], $0xffff;
	(erf) = vrcp.f32 v10  }
0x1a0: {  	v6 =	vmul.bf16 v6, v18;
	v8 =	vmul.bf16 v12, v8;
	v12 =	vld.idx.msk [tilespmem:v1+s2+$0x0], $0xffff  }
0x1a1: {  	v7 =	vld.idx.msk [tilespmem:v5+s2+$0x0], $0xffff  }
0x1a2: {  	v6 =	vadd.bf16 v8, v6;
	v14 =	vld.idx.msk [tilespmem:v5+s24+$0x0], $0xffff  }
0x1a3: {  	v13 =	vld.idx.msk [tilespmem:v1+s24+$0x0], $0xffff;
	[tilespmem:s22+$0x17700] =	vst v20  }
0x1a4: {  	v10 =	vmul.bf16 v11, v15;
	v15 =	vmul.bf16 v9, v19;
	v18 =	vunpack.i.u.bf16.f32 v6;
	v8 =	vld.idx.msk [tilespmem:v2+s0+$0x0], $0xffff;
	v9 =	vpop (erf)  }
0x1a5: {  	v16 =	vadd.bf16 v16, v17;
	v17 =	vunpack.i.l.bf16.f32 v6;
	v11 =	vld.idx.msk [tilespmem:v0+s0+$0x0], $0xffff;
	v19 =	vpop (erf);
	v9 =	vmul.f32 v9, v18  }
0x1a6: {  	s6 =	simm.s32 $0x20;
	s17 =	smul.u32 $0xFA0, s18;
	s7 =	simm.s32 $0x100;
	v6 =	vld.idx.msk [tilespmem:v2+s30+$0x0], $0xffff;
	v15 =	vadd.bf16 v10, v15;
	v10 =	vmul.f32 v19, v17  }
.LBB2_9:
0x1a7: {  	s8 =	sshra.s32 s7, $0x2;
	v17 =	vunpack.i.u.bf16.f32 v16;
	v20 =	vunpack.i.l.bf16.f32 v16;
	v18 =	vpop (erf);
	v19 =	vld.idx.msk [tilespmem:v0+s30+$0x0], $0xffff;
	[tilespmem:s22+$0x19650] =	vst v9  }
0x1a8: {  	v12 =	vmul.bf16 v14, v12;
	v9 =	vld [tilespmem:s8+$0xFA10];
	v14 =	vunpack.i.l.bf16.f32 v15;
	(erf) = vrcp.f32 v20;
	v16 =	vpop (erf);
	[tilespmem:s22+$0x186B0] =	vst v10  }
0x1a9: {  	v15 =	vunpack.i.u.bf16.f32 v15;
	v10 =	vld [tilespmem:s8+$0x11950];
	v14 =	vmul.f32 v18, v14;
	(erf) = vrcp.f32 v17  }
0x1aa: {  	v7 =	vmul.bf16 v13, v7;
	v13 =	vmul.f32 v16, v15;
	v17 =	vld [tilespmem:s8+$0xFA00]  }
0x1ab: {  	s6 =	sadd.s32 $0x20, s6;
	v8 =	vadd.bf16 v11, v8;
	v15 =	vld [tilespmem:s8+$0x11940];
	[tilespmem:s15+$0x16770] =	vst v14  }
0x1ac: {  	p0 =	slt.u32 s6, $0xF80;
	v7 =	vadd.bf16 v7, v12;
	[tilespmem:s15+$0x17710] =	vst v13;
	v11 =	vld.idx.msk [tilespmem:v2+s31+$0x0], $0xffff;
	v2 =	vmov v5  }
0x1ad: {  	v16 =	vunpack.i.u.bf16.f32 v8;
	v8 =	vunpack.i.l.bf16.f32 v8;
	v12 =	vld.idx.msk [tilespmem:v3+s0+$0x0], $0xffff  }
0x1ae: {  	v13 =	vunpack.i.u.bf16.f32 v7;
	v7 =	vunpack.i.l.bf16.f32 v7;
	v14 =	vld.idx.msk [tilespmem:v4+s0+$0x0], $0xffff;
	(erf) = vrcp.f32 v8  }
0x1af: {  	v8 =	vld.idx.msk [tilespmem:v0+s31+$0x0], $0xffff;
	(erf) = vrcp.f32 v16;
	v5 =	vmov v17;
	v0 =	vmov v1  }
0x1b0: {  	v16 =	vld.idx.msk [tilespmem:v9+s25+$0x0], $0xffff;
	v1 =	vmov v15  }
0x1b1: {  	v15 =	vld.idx.msk [tilespmem:v10+s25+$0x0], $0xffff;
	v18 =	vpop (erf)  }
0x1b2: {  	v11 =	vmul.bf16 v11, v19;
	v17 =	vld.idx.msk [tilespmem:v17+s25+$0x0], $0xffff;
	v7 =	vmul.f32 v18, v7;
	v18 =	vpop (erf)  }
0x1b3: {  	v13 =	vmul.f32 v18, v13;
	v18 =	vld.idx.msk [tilespmem:v3+s30+$0x0], $0xffff  }
0x1b4: {  	[tilespmem:s15+$0x16760] =	vst v7;
	v19 =	vld.idx.msk [tilespmem:v4+s30+$0x0], $0xffff;
	v7 =	vadd.bf16 v14, v12  }
0x1b5: {  	v6 =	vmul.bf16 v8, v6;
	[tilespmem:s15+$0x17700] =	vst v13;
	v12 =	vld.idx.msk [tilespmem:v3+s31+$0x0], $0xffff;
	v3 =	vmov v9  }
0x1b6: {  	v8 =	vld.idx.msk [tilespmem:v4+s31+$0x0], $0xffff;
	v13 =	vunpack.i.u.bf16.f32 v7;
	v21 =	vunpack.i.l.bf16.f32 v7;
	v4 =	vmov v10  }
0x1b7: {  	v14 =	vadd.bf16 v15, v16;
	v6 =	vadd.bf16 v6, v11;
	v20 =	vld.idx.msk [tilespmem:v9+s2+$0x0], $0xffff;
	(erf) = vrcp.f32 v13;
	v11 =	vpop (erf)  }
0x1b8: {  	v15 =	vld.idx.msk [tilespmem:v10+s2+$0x0], $0xffff;
	(erf) = vrcp.f32 v21;
	v7 =	vpop (erf)  }
0x1b9: {  	v13 =	vunpack.i.l.bf16.f32 v14;
	v16 =	vunpack.i.u.bf16.f32 v6;
	v6 =	vunpack.i.l.bf16.f32 v6;
	v9 =	vld.idx.msk [tilespmem:v9+s24+$0x0], $0xffff  }
0x1ba: {  	v14 =	vunpack.i.u.bf16.f32 v14;
	v6 =	vmul.f32 v11, v6;
	v10 =	vld.idx.msk [tilespmem:v10+s24+$0x0], $0xffff;
	(erf) = vrcp.f32 v13  }
0x1bb: {  	v13 =	vmul.f32 v7, v16;
	v11 =	vld.idx.msk [tilespmem:v1+s25+$0x0], $0xffff;
	(erf) = vrcp.f32 v14  }
0x1bc: {  	v16 =	vmul.bf16 v12, v19;
	v8 =	vmul.bf16 v8, v18;
	v7 =	vld.idx.msk [tilespmem:v5+s2+$0x0], $0xffff;
	[tilespmem:s22+$0x186A0] =	vst v6  }
0x1bd: {  	v12 =	vld.idx.msk [tilespmem:v1+s2+$0x0], $0xffff;
	[tilespmem:s22+$0x19640] =	vst v13;
	s22 =	smov.u32 s15;
	s15 =	smov.u32 s8  }
.Ltmp3:
0x1be: {  	v6 =	vadd.bf16 v8, v16;
	v14 =	vld.idx.msk [tilespmem:v5+s24+$0x0], $0xffff;
	(pc) =	sbr.rel @p0 .LBB2_9-.Ltmp3, $4  }
0x1bf: {  	v13 =	vld.idx.msk [tilespmem:v1+s24+$0x0], $0xffff  }
0x1c0: {  	v15 =	vmul.bf16 v9, v15;
	v10 =	vmul.bf16 v10, v20;
	v9 =	vunpack.i.u.bf16.f32 v6;
	v8 =	vld.idx.msk [tilespmem:v2+s0+$0x0], $0xffff;
	v18 =	vpop (erf)  }
0x1c1: {  	v16 =	vadd.bf16 v11, v17;
	v17 =	vunpack.i.l.bf16.f32 v6;
	v11 =	vld.idx.msk [tilespmem:v0+s0+$0x0], $0xffff;
	v9 =	vmul.f32 v18, v9;
	v18 =	vpop (erf)  }
0x1c2: {  	s7 =	sadd.s32 $0x80, s7;
	v15 =	vadd.bf16 v10, v15;
	v6 =	vld.idx.msk [tilespmem:v2+s30+$0x0], $0xffff;
	v10 =	vmul.f32 v18, v17  }
0x1c3: {  	v17 =	vunpack.i.l.bf16.f32 v16  }
0x1c4: {  	v23 =	vunpack.i.u.bf16.f32 v16;
	(erf) = vrcp.f32 v17  }
0x1c5: {  	(erf) = vrcp.f32 v23;
	_ =	sdelay $0x3  }
0x1c6: {  	v12 =	vmul.bf16 v14, v12;
	v7 =	vmul.bf16 v13, v7;
	_ =	sdelay $0x1  }
0x1c7: {  	v24 =	vpop (erf);
	v25 =	vunpack.i.l.bf16.f32 v15;
	v7 =	vadd.bf16 v7, v12  }
0x1c8: {  	v26 =	vpop (erf);
	v27 =	vunpack.i.u.bf16.f32 v15;
	v13 =	vmul.f32 v24, v25  }
0x1c9: {  	v29 =	vld.idx.msk [tilespmem:v0+s30+$0x0], $0xffff;
	v28 =	vmul.f32 v26, v27;
	v30 =	vunpack.i.l.bf16.f32 v7;
	v31 =	vpop (erf)  }
0x1ca: {  	v2 =	vld.idx.msk [tilespmem:v2+s31+$0x0], $0xffff;
	[tilespmem:s15+$0x16770] =	vst v13;
	v7 =	vunpack.i.u.bf16.f32 v7;
	v32 =	vmul.f32 v31, v30;
	v33 =	vpop (erf)  }
0x1cb: {  	v36 =	vld.idx.msk [tilespmem:v0+s31+$0x0], $0xffff;
	[tilespmem:s15+$0x17710] =	vst v28;
	v7 =	vmul.f32 v33, v7  }
0x1cc: {  	v34 =	vld.idx.msk [tilespmem:v3+s0+$0x0], $0xffff;
	[tilespmem:s15+$0x16760] =	vst v32  }
0x1cd: {  	v35 =	vld.idx.msk [tilespmem:v4+s0+$0x0], $0xffff;
	[tilespmem:s15+$0x17700] =	vst v7  }
0x1ce: {  	v7 =	vld.idx.msk [tilespmem:v5+s0+$0x0], $0xffff  }
0x1cf: {  	v12 =	vld.idx.msk [tilespmem:v1+s0+$0x0], $0xffff  }
0x1d0: {  	v8 =	vadd.bf16 v11, v8;
	v37 =	vld.idx.msk [tilespmem:v3+s30+$0x0], $0xffff  }
0x1d1: {  	v38 =	vld.idx.msk [tilespmem:v4+s30+$0x0], $0xffff  }
0x1d2: {  	v39 =	vunpack.i.l.bf16.f32 v8;
	v40 =	vld.idx.msk [tilespmem:v3+s31+$0x0], $0xffff;
	v13 =	vadd.bf16 v35, v34  }
0x1d3: {  	v8 =	vunpack.i.u.bf16.f32 v8;
	v41 =	vld.idx.msk [tilespmem:v4+s31+$0x0], $0xffff;
	(erf) = vrcp.f32 v39  }
0x1d4: {  	(erf) = vrcp.f32 v8;
	v42 =	vunpack.i.u.bf16.f32 v13;
	v43 =	vld.idx.msk [tilespmem:v5+s30+$0x0], $0xffff;
	v7 =	vadd.bf16 v12, v7  }
0x1d5: {  	v44 =	vunpack.i.l.bf16.f32 v13;
	(erf) = vrcp.f32 v42;
	v45 =	vld.idx.msk [tilespmem:v1+s30+$0x0], $0xffff  }
0x1d6: {  	v2 =	vmul.bf16 v2, v29;
	(erf) = vrcp.f32 v44;
	v46 =	vld.idx.msk [tilespmem:v5+s31+$0x0], $0xffff;
	v47 =	vunpack.i.l.bf16.f32 v7  }
0x1d7: {  	v0 =	vmul.bf16 v36, v6;
	v49 =	vld.idx.msk [tilespmem:v1+s31+$0x0], $0xffff;
	v48 =	vunpack.i.u.bf16.f32 v7;
	(erf) = vrcp.f32 v47  }
0x1d8: {  	(erf) = vrcp.f32 v48  }
0x1d9: {  	v0 =	vadd.bf16 v0, v2  }
0x1da: {  	v50 =	vmul.bf16 v41, v37;
	v3 =	vmul.bf16 v40, v38  }
0x1db: {  	v51 =	vunpack.i.l.bf16.f32 v0  }
0x1dc: {  	v2 =	vadd.bf16 v50, v3;
	v52 =	vpop (erf);
	v53 =	vmul.bf16 v46, v45;
	v1 =	vmul.bf16 v49, v43  }
0x1dd: {  	[tilespmem:s22+$0x19650] =	vst v9;
	v0 =	vunpack.i.u.bf16.f32 v0;
	v54 =	vpop (erf);
	v4 =	vmul.f32 v52, v51  }
0x1de: {  	[tilespmem:s22+$0x186B0] =	vst v10;
	v55 =	vunpack.i.u.bf16.f32 v2;
	v0 =	vmul.f32 v54, v0;
	v56 =	vpop (erf);
	v1 =	vadd.bf16 v1, v53  }
0x1df: {  	v2 =	vunpack.i.l.bf16.f32 v2;
	[tilespmem:s22+$0x186A0] =	vst v4;
	v57 =	vmul.f32 v56, v55;
	v58 =	vpop (erf)  }
0x1e0: {  	[tilespmem:s22+$0x19640] =	vst v0;
	v59 =	vmul.f32 v58, v2;
	v61 =	vunpack.i.l.bf16.f32 v1;
	v60 =	vpop (erf)  }
0x1e1: {  	v1 =	vunpack.i.u.bf16.f32 v1;
	[tilespmem:s15+$0x19650] =	vst v57;
	v62 =	vpop (erf);
	v2 =	vmul.f32 v60, v61  }
0x1e2: {  	s6 =	sadd.s32 s13, s17;
	[tilespmem:s15+$0x186B0] =	vst v59;
	v63 =	vmul.f32 v62, v1  }
0x1e3: {  	s6 =	sshrl.u32 s6, $0x3;
	[tilespmem:s15+$0x186A0] =	vst v2  }
0x1e4: {  	s6 =	sadd.s32 s5, s6;
	[tilespmem:s15+$0x19640] =	vst v63;
	s15 =	sadd.s32 s16, s17  }
0x1e5: {  	[hbm4b:s6+s2] =	stream.linear.scatter [tilespmem:s11], [sflag:$0x4], $0xFA0, $0x38;
	[tilespmem:$0x1A5E0] =	vst v63  }
0x1e6: {  	s6 =	sshrl.u32 s15, $0x3  }
0x1e7: {  	s18 =	sadd.s32 s19, s17;
	s20 =	sadd.s32 $0x1, s20;
	s6 =	sadd.s32 s5, s6  }
0x1e8: {  	[hbm4b:s6+s2] =	stream.linear.scatter [tilespmem:s29], [sflag:$0x4], $0xFA0, $0x38;
	[tilespmem:$0x1A5E0] =	vst v63  }
0x1e9: {  	p0 =	sne.s32 s20, $0x28;
	s6 =	sshrl.u32 s18, $0x3  }
.Ltmp4:
0x1ea: {  	s22 =	sadd.s32 s21, s17;
	s6 =	sadd.s32 s5, s6;
	(pc) =	sbr.rel @p0 .LBB2_6-.Ltmp4, $4  }
0x1eb: {  	[hbm4b:s6+s2] =	stream.linear.scatter [tilespmem:s12], [sflag:$0x4], $0xFA0, $0x38;
	[tilespmem:$0x1A5E0] =	vst v63  }
0x1ec: {  	s6 =	sshrl.u32 s22, $0x3  }
0x1ed: {  	s6 =	sadd.s32 s5, s6  }
0x1ee: {  	[hbm4b:s6+s2] =	stream.linear.scatter [tilespmem:s14], [sflag:$0x4], $0xFA0, $0x38;
	[tilespmem:$0x1A5E0] =	vst v63  }
0x1ef: {  	s6 =	simm.s32 $0x3  }
0x1f0: {  	_ =	swait.ge [sflag:s6], $0xFA0  }
0x1f1: {  	[sflag:s6] =	ssyncset.done $0x0  }
0x1f2: {  	[sflag:s6] =	ssyncadd.s32 $0xFFFFF060  }
0x1f3: {  	_ =	swait.ge [sflag:s6], $0xFA0  }
0x1f4: {  	[sflag:s6] =	ssyncset.done $0x0  }
0x1f5: {  	[sflag:s6] =	ssyncadd.s32 $0xFFFFF060  }
0x1f6: {  	_ =	swait.ge [sflag:s6], $0xFA0  }
0x1f7: {  	[sflag:s6] =	ssyncset.done $0x0  }
0x1f8: {  	[sflag:s6] =	ssyncadd.s32 $0xFFFFF060  }
0x1f9: {  	_ =	swait.ge [sflag:s6], $0xFA0  }
0x1fa: {  	[sflag:s6] =	ssyncset.done $0x0  }
0x1fb: {  	s7 =	simm.s32 $0x4;
	[sflag:s6] =	ssyncadd.s32 $0xFFFFF060  }
0x1fc: {  	_ =	swait.ge [sflag:s7], $0xFA0  }
0x1fd: {  	[sflag:s7] =	ssyncset.done $0x0  }
0x1fe: {  	[sflag:s7] =	ssyncadd.s32 $0xFFFFF060  }
0x1ff: {  	_ =	swait.ge [sflag:s7], $0xFA0  }
0x200: {  	[sflag:s7] =	ssyncset.done $0x0  }
0x201: {  	[sflag:s7] =	ssyncadd.s32 $0xFFFFF060  }
0x202: {  	_ =	swait.ge [sflag:s7], $0xFA0  }
0x203: {  	[sflag:s7] =	ssyncset.done $0x0  }
0x204: {  	[sflag:s7] =	ssyncadd.s32 $0xFFFFF060  }
0x205: {  	_ =	swait.ge [sflag:s7], $0xFA0  }
0x206: {  	s8 =	rddreg [dreg:$0x10]  }
0x207: {  	s22 =	rddreg [dreg:$0xf];
	s8 =	sadd.s32 $0x1, s8  }
0x208: {  	p0 =	sne.s32 s8, s22  }
.Ltmp5:
0x209: {  	_ = 	snop;
	(pc) =	sbr.rel @p0 .LBB2_1-.Ltmp5, $3  }
0x20a: {  	_ =	sdelay $0x1  }
0x20b: {  	[sflag:s7] =	ssyncset.done $0x0  }
0x20c: {  	s17 =	simm.s32 $0x14FF0;
	[sflag:s7] =	ssyncadd.s32 $0xFFFFF060  }
0x20d: {  	_ =	sfence.sel $0x180000  }
0x20e: {  	[bflag:$0x0] =	sbarrier.arrive $0xFFFF  }
0x20f: {  	_ =	strace $0x90000047  }
0x210: {  	s0 =	stileid.u32;
	[bflag:$0x2] =	sbarrier.arrive $0xFFFF  }
0x211: {  	p0 =	sne.s32 s0, $0x0;
	s0 =	rddreg [dreg:$0x2]  }
0x212: {  	s0 =	sadd.s32 @!p0 $0x100000, s0  }
0x213: {  	[sflag:s0] =	ssyncadd.tile.s32 @!p0 $0x1;
	_ =	shalt  }
.Lfunc_end2:
_tile_overlayer_lowered:
.L_overlay_start_2:
0x214: {  	(tag) =	ssettag $0x2  }
0x215: {  	s0 =	rddreg [dreg:$0x0];
	s2 =	stileid.u32  }
0x216: {  	s1 =	rddreg [dreg:$0x1];
	p0 =	sne.s32 s2, $0x0  }
0x217: {  	s3 =	rddreg [dreg:$0x2];
	[bflag:$0x3] =	sbarrier.arrive $0xFFFF;
	s2 =	simm.s32 @!p0 $0x1C05  }
0x218: {  	[timem:s3], [sflag:s2] =	dma.local @!p0 [hbm:s0], s1  }
0x219: {  	s0 =	simm.s32 @!p0 $0x5  }
0x21a: {  	_ =	swait.ge @!p0 [sflag:s0], s1  }
0x21b: {  	s1 =	ssub.s32 @!p0 $0x0, s1;
	[sflag:s0] =	ssyncset.done @!p0 $0x0  }
0x21c: {  	[sflag:s0] =	ssyncadd.s32 @!p0 s1  }
0x21d: {  	[bflag:$0x3] =	sbarrier.arrive $0xFFFF  }
0x21e: {  	_ =	shalt  }

</sc_bundles>
